<compile_context>
chip_gen: v7x
topology: tpu7x:2x2x1
jax: 0.10.2.dev20260603
libtpu: 0.0.44.dev20260713+nightly
codegen_flags: <defaults>
</compile_context>

<pallas_src>
import functools
import jax
import jax.numpy as jnp
from jax import lax
from jax.experimental import pallas as pl
from jax.experimental.pallas import tpu as pltpu
from jax.experimental.pallas import tpu_sc as plsc

B = 1024
F = 4096
RB = 512
NB = B // RB
K_DROP = 103
N_SEL = 8
L = 16


def _sum_i16(x):
    r = x.shape[0]
    while r > 1:
        h = r // 2
        x = x[:h] + x[h:r]
        r = h
    return x


def _score_kernel_body(m_ref, idx_out_ref, dcol_ref, sc_ref, sqc_ref, sqr_ref):
    i = pl.program_id(0)
    j = pl.program_id(1)

    @pl.when((i == 0) & (j == 0))
    def _prep():
        m = m_ref[...]
        msq = m * m
        sqc_ref[...] = jnp.sum(msq, axis=1, keepdims=True)
        sqr_ref[...] = lax.dot_general(
            jnp.ones((1, F), jnp.float32), msq, (((1,), (1,)), ((), ())),
            preferred_element_type=jnp.float32)

    @pl.when(j >= i)
    def _matmul():
        mi = m_ref[pl.ds(i * RB, RB), :]
        mj = m_ref[pl.ds(j * RB, RB), :]
        g = lax.dot_general(mj, mi, (((1,), (1,)), ((), ())),
                            preferred_element_type=jnp.float32)
        sq_j = sqc_ref[pl.ds(j * RB, RB), :]
        sq_i = sqr_ref[:, pl.ds(i * RB, RB)]
        d2 = sq_j + sq_i - 2.0 * g
        d2 = jnp.maximum(d2, 0.0)
        safe = jnp.where(d2 > 0.0, d2, 1.0)
        d = jnp.where(d2 > 0.0, jnp.sqrt(safe), 0.0)
        dcol_ref[i, pl.ds(j * RB, RB), :] = d

        @pl.when(j > i)
        def _mirror():
            dcol_ref[j, pl.ds(i * RB, RB), :] = d.T

    @pl.when(j == NB - 1)
    def _score():
        dall = dcol_ref[i]
        bits = lax.bitcast_convert_type(dall, jnp.int32)
        rowsum = jnp.sum(dall, axis=0, keepdims=True)
        rowmin = jnp.min(dall, axis=0, keepdims=True)

        h16 = lax.shift_right_logical(bits, 16).astype(jnp.int16)
        lx16 = (bits ^ jnp.int32(0x8000)).astype(jnp.int16)
        one16 = jnp.int16(1)
        zero16 = jnp.int16(0)
        kdrop16 = jnp.int16(K_DROP)

        P = jnp.zeros((1, RB), jnp.int16)
        for b in range(14, -1, -1):
            cand = P | jnp.int16(1 << b)
            cnt = _sum_i16(jnp.where(h16 >= cand, one16, zero16))
            P = jnp.where(cnt >= kdrop16, cand, P)

        maskP = h16 == P
        c_hi = _sum_i16(jnp.where(h16 > P, one16, zero16))
        k_rem = kdrop16 - c_hi

        Lx = jnp.full((1, RB), jnp.int16(-0x8000))
        for b in range(15, -1, -1):
            if b == 15:
                cand = Lx & jnp.int16(0x7FFF)
            else:
                cand = Lx | jnp.int16(1 << b)
            hit = maskP & (lx16 >= cand)
            cnt = _sum_i16(jnp.where(hit, one16, zero16))
            Lx = jnp.where(cnt >= k_rem, cand, Lx)

        low_u = (Lx.astype(jnp.int32) ^ jnp.int32(0x8000)) & jnp.int32(0xFFFF)
        T = lax.shift_left(P.astype(jnp.int32), 16) | low_u
        gt = bits > T
        cnt_gt = jnp.sum(jnp.where(gt, 1.0, 0.0), axis=0, keepdims=True)
        sum_gt = jnp.sum(jnp.where(gt, dall, 0.0), axis=0, keepdims=True)
        kth = lax.bitcast_convert_type(T, jnp.float32)
        sumtop = sum_gt + (K_DROP - cnt_gt) * kth
        sc_ref[i] = rowsum - sumtop - rowmin

    @pl.when((i == NB - 1) & (j == NB - 1))
    def _select():
        s = sc_ref[...].reshape(NB, RB)
        iota = (lax.broadcasted_iota(jnp.int32, (NB, RB), 0) * RB
                + lax.broadcasted_iota(jnp.int32, (NB, RB), 1))
        lane = lax.broadcasted_iota(jnp.int32, (1, 128), 1)
        w0 = jnp.zeros((1, 128), jnp.int32)

        def pick(p, carry):
            s, w = carry
            m = jnp.min(s)
            elig = s == m
            idx = jnp.min(jnp.where(elig, iota, jnp.int32(2 ** 30)))
            onehot = iota == idx
            w = jnp.where(lane == p, idx, w)
            s = jnp.where(onehot, jnp.float32(jnp.inf), s)
            return s, w

        _, w = lax.fori_loop(0, N_SEL, pick, (s, w0))
        idx_out_ref[0] = w


def _sc_tail_body(idx_hbm, m_hbm, out_hbm, idx_v, rows_v, acc_v, sem):
    cid = lax.axis_index("c")
    sid = lax.axis_index("s")

    @pl.when((cid == 0) & (sid == 0))
    def _():
        pltpu.sync_copy(idx_hbm, idx_v)
        pltpu.async_copy(m_hbm.at[idx_v], rows_v, sem).wait()

        def col_body(c, _):
            acc = jnp.zeros((L,), jnp.float32)
            for r in range(N_SEL):
                acc = acc + rows_v[r, pl.ds(c * L, L)]
            acc_v[pl.ds(c * L, L)] = acc * (1.0 / N_SEL)
            return _

        lax.fori_loop(0, F // L, col_body, 0)
        pltpu.sync_copy(acc_v, out_hbm)


def kernel(matrix):
    idx3 = pl.pallas_call(
        _score_kernel_body,
        grid=(NB, NB),
        in_specs=[
            pl.BlockSpec((B, F), lambda i, j: (0, 0)),
        ],
        out_specs=pl.BlockSpec((1, 1, 128), lambda i, j: (0, 0, 0)),
        out_shape=jax.ShapeDtypeStruct((1, 1, 128), jnp.int32),
        scratch_shapes=[
            pltpu.VMEM((NB, B, RB), jnp.float32),
            pltpu.VMEM((NB, 1, RB), jnp.float32),
            pltpu.VMEM((B, 1), jnp.float32),
            pltpu.VMEM((1, B), jnp.float32),
        ],
    )(matrix)

    idx8 = idx3.reshape(128)[:N_SEL]

    mesh = plsc.VectorSubcoreMesh(core_axis_name="c", subcore_axis_name="s")
    sc_tail = functools.partial(
        pl.kernel, mesh=mesh,
        out_type=jax.ShapeDtypeStruct((F,), jnp.float32),
        scratch_types=[
            pltpu.VMEM((N_SEL,), jnp.int32),
            pltpu.VMEM((N_SEL, F), jnp.float32),
            pltpu.VMEM((F,), jnp.float32),
            pltpu.SemaphoreType.DMA,
        ],
    )(_sc_tail_body)

    return sc_tail(idx8, matrix)

# --- scband reference (transcript-rebuilt; emitter-appended) ---
"""Pipeline reference for scband-krum-18425409700115 (READ-ONLY COPY).

The authoritative reference and input builder live on the scoring server;
editing this copy changes nothing except your own understanding.
"""

import jax, jax.numpy as jnp
import numpy as np

NUM_BYZANTINE = 102
NUM_SELECTED = 8


def setup_inputs(seed: int = 0) -> dict:
    key = jax.random.key(seed)
    matrix = jax.random.normal(key, (1024, 4096), dtype=jnp.float32)
    return {"matrix": matrix}


def _pairwise_euclid(matrix):
    # exact same math as torch.cdist (euclidean): sqrt(sum((x_i - x_j)^2))
    sq = jnp.sum(matrix * matrix, axis=1)
    d2 = sq[:, None] + sq[None, :] - 2.0 * (matrix @ matrix.T)
    d2 = jnp.maximum(d2, 0.0)
    # safe sqrt: zero distance (diagonal) -> 0, avoids nan in any grad path
    safe = jnp.where(d2 > 0.0, d2, 1.0)
    return jnp.where(d2 > 0.0, jnp.sqrt(safe), 0.0)


def reference(matrix):
    b = matrix.shape[0]
    assert b >= NUM_BYZANTINE + 3
    assert b >= NUM_SELECTED
    distances = _pairwise_euclid(matrix)
    n_closest = b - NUM_BYZANTINE - 2
    # k smallest distances per row (ascending), like torch.topk(largest=False)
    neg_vals, _ = jax.lax.top_k(-distances, n_closest + 1)
    smallest_distances = -neg_vals
    smallest_excluding_self = smallest_distances[:, 1:]
    scores = jnp.sum(smallest_excluding_self, axis=1)
    # num_selected smallest scores
    _, selected_indices = jax.lax.top_k(-scores, NUM_SELECTED)
    one_hot = jax.nn.one_hot(selected_indices, b, dtype=matrix.dtype)
    weights = jnp.sum(one_hot, axis=0) / NUM_SELECTED
    return weights @ matrix

if __name__ == "__main__":
    import jax
    _d = setup_inputs()
    print(jax.jit(kernel)(*tuple(_d.values())))

</pallas_src>

<mosaic_0001>
#map = affine_map<(d0, d1) -> (0)>
#map1 = affine_map<(d0, d1) -> (0, 0)>
module attributes {stable_mosaic.version = 14 : i64} {
  func.func @_sc_tail_body(%arg0: i32, %arg1: i32, %arg2: memref<8xi32, #tpu.memory_space<hbm>>, %arg3: memref<1024x4096xf32, #tpu.memory_space<hbm>>, %arg4: memref<4096xf32, #tpu.memory_space<hbm>>, %arg5: memref<8xi32, #tpu.memory_space<vmem>>, %arg6: memref<8x4096xf32, #tpu.memory_space<vmem>>, %arg7: memref<4096xf32, #tpu.memory_space<vmem>>, %arg8: memref<!tpu.dma_semaphore, #tpu.memory_space<semaphore_mem>>) attributes {dimension_semantics = [#tpu.dimension_semantics<core_parallel>, #tpu.dimension_semantics<subcore_parallel>], iteration_bounds = array<i64: 2, 16>, scalar_prefetch = 0 : i64, scratch_operands = 4 : i64, tpu.core_type = #tpu.core_type<sc_vector_subcore>, window_params = [{transform_indices = #map}, {transform_indices = #map1}, {transform_indices = #map}]} {
    %eq3A = arith.constant 0 : i32
    %eq3A_0 = arith.cmpi eq, %arg0, %eq3A : i32
    %eq3A_1 = arith.constant 0 : i32
    %eq3A_2 = arith.cmpi eq, %arg1, %eq3A_1 : i32
    %and3A = arith.andi %eq3A_0, %eq3A_2 : i1
    %convert_element_type3A = arith.extui %and3A : i1 to i32
    %cond3A = arith.constant 0 : i32
    %cond3A_3 = arith.cmpi ne, %convert_element_type3A, %cond3A : i32
    scf.if %cond3A_3 {
      "tpu.region"() ({
        %run_scoped3A = tpu.sem_alloc : memref<!tpu.dma_semaphore, #tpu.memory_space<semaphore_mem>>
        tpu.enqueue_dma source(%arg2 : memref<8xi32, #tpu.memory_space<hbm>>) target(%arg5 : memref<8xi32, #tpu.memory_space<vmem>>) target_semaphore(%run_scoped3A : memref<!tpu.dma_semaphore, #tpu.memory_space<semaphore_mem>>)
        tpu.wait_dma2 semaphore(%run_scoped3A : memref<!tpu.dma_semaphore, #tpu.memory_space<semaphore_mem>>) src(%arg2 : memref<8xi32, #tpu.memory_space<hbm>>) dst(%arg5 : memref<8xi32, #tpu.memory_space<vmem>>)
        tpu.yield
      }) : () -> ()
      %dma_start3A = arith.constant 0 : i32
      %dma_start3A_4 = arith.constant 0 : i32
      %dma_start3A_5 = tpu.memref_slice %arg3[%dma_start3A, %dma_start3A_4] : memref<1024x4096xf32, #tpu.memory_space<hbm>> -> memref<1024x4096xf32, #tpu.memory_space<hbm>>
      tpu.enqueue_indirect_dma source(%dma_start3A_5 : memref<1024x4096xf32, #tpu.memory_space<hbm>>) target(%arg6 : memref<8x4096xf32, #tpu.memory_space<vmem>>) offsets(%arg5 : memref<8xi32, #tpu.memory_space<vmem>>) semaphore(%arg8 : memref<!tpu.dma_semaphore, #tpu.memory_space<semaphore_mem>>)
      %dma_wait3A = arith.constant 0 : i32
      %dma_wait3A_6 = arith.constant 0 : i32
      %dma_wait3A_7 = tpu.memref_slice %arg3[%dma_wait3A, %dma_wait3A_6] : memref<1024x4096xf32, #tpu.memory_space<hbm>> -> memref<1024x4096xf32, #tpu.memory_space<hbm>>
      tpu.wait_indirect_dma semaphore(%arg8 : memref<!tpu.dma_semaphore, #tpu.memory_space<semaphore_mem>>) src(%dma_wait3A_7 : memref<1024x4096xf32, #tpu.memory_space<hbm>>) dst(%arg6 : memref<8x4096xf32, #tpu.memory_space<vmem>>)
      %scan3A = arith.constant 0 : i32
      %scan3A_8 = arith.constant 0 : i32
      %scan3A_9 = arith.constant 256 : i32
      %scan3A_10 = arith.addi %scan3A_8, %scan3A_9 : i32
      %scan3A_11 = arith.constant 1 : i32
      scf.for %scan3A_13 = %scan3A_8 to %scan3A_10 step %scan3A_11  : i32 {
        %broadcast_in_dim3A = arith.constant 0.000000e+00 : f32
        %broadcast_in_dim3A_14 = vector.broadcast %broadcast_in_dim3A : f32 to vector<16xf32>
        %mul3A = arith.constant 16 : i32
        %mul3A_15 = arith.muli %scan3A_13, %mul3A : i32
        %get3A = arith.constant 0 : i32
        %get3A_16 = arith.index_cast %get3A : i32 to index
        %get3A_17 = arith.index_cast %mul3A_15 : i32 to index
        %get3A_18 = tpu.vector_load %arg6[%get3A_16, %get3A_17] {strides = array<i32>} : memref<8x4096xf32, #tpu.memory_space<vmem>>, vector<1x16xf32>,
        %get3A_19 = vector.shape_cast %get3A_18 : vector<1x16xf32> to vector<16xf32>
        %add3A = arith.addf %broadcast_in_dim3A_14, %get3A_19 : vector<16xf32>
        %mul3A_20 = arith.constant 16 : i32
        %mul3A_21 = arith.muli %scan3A_13, %mul3A_20 : i32
        %get3A_22 = arith.constant 1 : i32
        %get3A_23 = arith.index_cast %get3A_22 : i32 to index
        %get3A_24 = arith.index_cast %mul3A_21 : i32 to index
        %get3A_25 = tpu.vector_load %arg6[%get3A_23, %get3A_24] {strides = array<i32>} : memref<8x4096xf32, #tpu.memory_space<vmem>>, vector<1x16xf32>,
        %get3A_26 = vector.shape_cast %get3A_25 : vector<1x16xf32> to vector<16xf32>
        %add3A_27 = arith.addf %add3A, %get3A_26 : vector<16xf32>
        %mul3A_28 = arith.constant 16 : i32
        %mul3A_29 = arith.muli %scan3A_13, %mul3A_28 : i32
        %get3A_30 = arith.constant 2 : i32
        %get3A_31 = arith.index_cast %get3A_30 : i32 to index
        %get3A_32 = arith.index_cast %mul3A_29 : i32 to index
        %get3A_33 = tpu.vector_load %arg6[%get3A_31, %get3A_32] {strides = array<i32>} : memref<8x4096xf32, #tpu.memory_space<vmem>>, vector<1x16xf32>,
        %get3A_34 = vector.shape_cast %get3A_33 : vector<1x16xf32> to vector<16xf32>
        %add3A_35 = arith.addf %add3A_27, %get3A_34 : vector<16xf32>
        %mul3A_36 = arith.constant 16 : i32
        %mul3A_37 = arith.muli %scan3A_13, %mul3A_36 : i32
        %get3A_38 = arith.constant 3 : i32
        %get3A_39 = arith.index_cast %get3A_38 : i32 to index
        %get3A_40 = arith.index_cast %mul3A_37 : i32 to index
        %get3A_41 = tpu.vector_load %arg6[%get3A_39, %get3A_40] {strides = array<i32>} : memref<8x4096xf32, #tpu.memory_space<vmem>>, vector<1x16xf32>,
        %get3A_42 = vector.shape_cast %get3A_41 : vector<1x16xf32> to vector<16xf32>
        %add3A_43 = arith.addf %add3A_35, %get3A_42 : vector<16xf32>
        %mul3A_44 = arith.constant 16 : i32
        %mul3A_45 = arith.muli %scan3A_13, %mul3A_44 : i32
        %get3A_46 = arith.constant 4 : i32
        %get3A_47 = arith.index_cast %get3A_46 : i32 to index
        %get3A_48 = arith.index_cast %mul3A_45 : i32 to index
        %get3A_49 = tpu.vector_load %arg6[%get3A_47, %get3A_48] {strides = array<i32>} : memref<8x4096xf32, #tpu.memory_space<vmem>>, vector<1x16xf32>,
        %get3A_50 = vector.shape_cast %get3A_49 : vector<1x16xf32> to vector<16xf32>
        %add3A_51 = arith.addf %add3A_43, %get3A_50 : vector<16xf32>
        %mul3A_52 = arith.constant 16 : i32
        %mul3A_53 = arith.muli %scan3A_13, %mul3A_52 : i32
        %get3A_54 = arith.constant 5 : i32
        %get3A_55 = arith.index_cast %get3A_54 : i32 to index
        %get3A_56 = arith.index_cast %mul3A_53 : i32 to index
        %get3A_57 = tpu.vector_load %arg6[%get3A_55, %get3A_56] {strides = array<i32>} : memref<8x4096xf32, #tpu.memory_space<vmem>>, vector<1x16xf32>,
        %get3A_58 = vector.shape_cast %get3A_57 : vector<1x16xf32> to vector<16xf32>
        %add3A_59 = arith.addf %add3A_51, %get3A_58 : vector<16xf32>
        %mul3A_60 = arith.constant 16 : i32
        %mul3A_61 = arith.muli %scan3A_13, %mul3A_60 : i32
        %get3A_62 = arith.constant 6 : i32
        %get3A_63 = arith.index_cast %get3A_62 : i32 to index
        %get3A_64 = arith.index_cast %mul3A_61 : i32 to index
        %get3A_65 = tpu.vector_load %arg6[%get3A_63, %get3A_64] {strides = array<i32>} : memref<8x4096xf32, #tpu.memory_space<vmem>>, vector<1x16xf32>,
        %get3A_66 = vector.shape_cast %get3A_65 : vector<1x16xf32> to vector<16xf32>
        %add3A_67 = arith.addf %add3A_59, %get3A_66 : vector<16xf32>
        %mul3A_68 = arith.constant 16 : i32
        %mul3A_69 = arith.muli %scan3A_13, %mul3A_68 : i32
        %get3A_70 = arith.constant 7 : i32
        %get3A_71 = arith.index_cast %get3A_70 : i32 to index
        %get3A_72 = arith.index_cast %mul3A_69 : i32 to index
        %get3A_73 = tpu.vector_load %arg6[%get3A_71, %get3A_72] {strides = array<i32>} : memref<8x4096xf32, #tpu.memory_space<vmem>>, vector<1x16xf32>,
        %get3A_74 = vector.shape_cast %get3A_73 : vector<1x16xf32> to vector<16xf32>
        %add3A_75 = arith.addf %add3A_67, %get3A_74 : vector<16xf32>
        %mul3A_76 = arith.constant 1.250000e-01 : f32
        %mul3A_77 = vector.broadcast %mul3A_76 : f32 to vector<16xf32>
        %mul3A_78 = arith.mulf %add3A_75, %mul3A_77 : vector<16xf32>
        %mul3A_79 = arith.constant 16 : i32
        %mul3A_80 = arith.muli %scan3A_13, %mul3A_79 : i32
        %swap3A = arith.index_cast %mul3A_80 : i32 to index
        %swap3A_81 = tpu.vector_load %arg7[%swap3A] {strides = array<i32>} : memref<4096xf32, #tpu.memory_space<vmem>>, vector<16xf32>,
        %swap3A_82 = vector.shape_cast %swap3A_81 : vector<16xf32> to vector<16xf32>
        %swap3A_83 = vector.shape_cast %mul3A_78 : vector<16xf32> to vector<16xf32>
        tpu.vector_store %arg7[%swap3A], %swap3A_83 {strides = array<i32>} : memref<4096xf32, #tpu.memory_space<vmem>>, vector<16xf32>,
      }
      %scan3A_12 = arith.constant 256 : i32
      "tpu.region"() ({
        %run_scoped3A = tpu.sem_alloc : memref<!tpu.dma_semaphore, #tpu.memory_space<semaphore_mem>>
        tpu.enqueue_dma source(%arg7 : memref<4096xf32, #tpu.memory_space<vmem>>) target(%arg4 : memref<4096xf32, #tpu.memory_space<hbm>>) target_semaphore(%run_scoped3A : memref<!tpu.dma_semaphore, #tpu.memory_space<semaphore_mem>>)
        tpu.wait_dma2 semaphore(%run_scoped3A : memref<!tpu.dma_semaphore, #tpu.memory_space<semaphore_mem>>) src(%arg7 : memref<4096xf32, #tpu.memory_space<vmem>>) dst(%arg4 : memref<4096xf32, #tpu.memory_space<hbm>>)
        tpu.yield
      }) : () -> ()
    } else {
    }
    return
  }
}

module attributes {stable_mosaic.version = 14 : i64} {
  func.func @_score_kernel_body(%arg0: i32, %arg1: i32, %arg2: memref<1024x4096xf32, #tpu.memory_space<vmem>>, %arg3: memref<1x1x128xi32, #tpu.memory_space<vmem>>, %arg4: memref<2x1024x512xf32, #tpu.memory_space<vmem>>, %arg5: memref<2x1x512xf32, #tpu.memory_space<vmem>>, %arg6: memref<1024x1xf32, #tpu.memory_space<vmem>>, %arg7: memref<1x1024xf32, #tpu.memory_space<vmem>>) attributes {dimension_semantics = [#tpu.dimension_semantics<arbitrary>, #tpu.dimension_semantics<arbitrary>], iteration_bounds = array<i64: 2, 2>, scalar_prefetch = 0 : i64, scratch_operands = 4 : i64, tpu.core_type = #tpu.core_type<tc>, window_params = [{pipeline_mode = #tpu.pipeline_mode<synchronous>, transform_indices = @transform_0, window_bounds = array<i64: 1024, 4096>}, {pipeline_mode = #tpu.pipeline_mode<synchronous>, transform_indices = @transform_1, window_bounds = array<i64: 1, 1, 128>}]} {
    %eq3A = arith.constant 0 : i32
    %eq3A_0 = arith.cmpi eq, %arg0, %eq3A : i32
    %eq3A_1 = arith.constant 0 : i32
    %eq3A_2 = arith.cmpi eq, %arg1, %eq3A_1 : i32
    %and3A = arith.andi %eq3A_0, %eq3A_2 : i1
    %convert_element_type3A = arith.extui %and3A : i1 to i32
    %cond3A = arith.constant 0 : i32
    %cond3A_3 = arith.cmpi ne, %convert_element_type3A, %cond3A : i32
    scf.if %cond3A_3 {
      %get3A = arith.constant 0 : index
      %get3A_20 = arith.constant 0 : index
      %get3A_21 = vector.load %arg2[%get3A, %get3A_20] : memref<1024x4096xf32, #tpu.memory_space<vmem>>, vector<1024x4096xf32>
      %mul3A = arith.mulf %get3A_21, %get3A_21 : vector<1024x4096xf32>
      %reduce_sum3A = arith.constant dense<0.000000e+00> : vector<1024xf32>
      %reduce_sum3A_22 = vector.multi_reduction <add>, %mul3A, %reduce_sum3A [1] : vector<1024x4096xf32> to vector<1024xf32>
      %broadcast_in_dim3A = vector.shape_cast %reduce_sum3A_22 : vector<1024xf32> to vector<1024x1xf32>
      %swap3A = arith.constant 0 : index
      %swap3A_23 = arith.constant 0 : index
      %swap3A_24 = vector.load %arg6[%swap3A, %swap3A_23] : memref<1024x1xf32, #tpu.memory_space<vmem>>, vector<1024x1xf32>
      tpu.vector_store %arg6[%swap3A, %swap3A_23], %broadcast_in_dim3A {strides = array<i32>} : memref<1024x1xf32, #tpu.memory_space<vmem>>, vector<1024x1xf32>,
      %broadcast_in_dim3A_25 = arith.constant 1.000000e+00 : f32
      %broadcast_in_dim3A_26 = vector.broadcast %broadcast_in_dim3A_25 : f32 to vector<1x4096xf32>
      %dot_general3A = arith.constant dense<0.000000e+00> : vector<1x1024xf32>
      %dot_general3A_27 = tpu.matmul %broadcast_in_dim3A_26, %mul3A, %dot_general3A {dimension_numbers = #tpu.dot_dimension_numbers<[1], [1], [0], [0], [0, 0, 1, 0], [], []>, transpose_lhs_hint = false} : vector<1x4096xf32>, vector<1024x4096xf32>, vector<1x1024xf32> -> vector<1x1024xf32>
      %swap3A_28 = arith.constant 0 : index
      %swap3A_29 = arith.constant 0 : index
      %swap3A_30 = vector.load %arg7[%swap3A_28, %swap3A_29] : memref<1x1024xf32, #tpu.memory_space<vmem>>, vector<1x1024xf32>
      tpu.vector_store %arg7[%swap3A_28, %swap3A_29], %dot_general3A_27 {strides = array<i32>} : memref<1x1024xf32, #tpu.memory_space<vmem>>, vector<1x1024xf32>,
    } else {
    }
    %ge3A = arith.cmpi sge, %arg1, %arg0 : i32
    %convert_element_type3A_4 = arith.extui %ge3A : i1 to i32
    %cond3A_5 = arith.constant 0 : i32
    %cond3A_6 = arith.cmpi ne, %convert_element_type3A_4, %cond3A_5 : i32
    scf.if %cond3A_6 {
      %mul3A = arith.constant 512 : i32
      %mul3A_20 = arith.muli %arg0, %mul3A : i32
      %get3A = arith.index_cast %mul3A_20 : i32 to index
      %get3A_21 = arith.constant 0 : index
      %get3A_22 = vector.load %arg2[%get3A, %get3A_21] : memref<1024x4096xf32, #tpu.memory_space<vmem>>, vector<512x4096xf32>
      %mul3A_23 = arith.constant 512 : i32
      %mul3A_24 = arith.muli %arg1, %mul3A_23 : i32
      %get3A_25 = arith.index_cast %mul3A_24 : i32 to index
      %get3A_26 = arith.constant 0 : index
      %get3A_27 = vector.load %arg2[%get3A_25, %get3A_26] : memref<1024x4096xf32, #tpu.memory_space<vmem>>, vector<512x4096xf32>
      %dot_general3A = arith.constant dense<0.000000e+00> : vector<512x512xf32>
      %dot_general3A_28 = tpu.matmul %get3A_27, %get3A_22, %dot_general3A {dimension_numbers = #tpu.dot_dimension_numbers<[1], [1], [0], [0], [0, 0, 1, 0], [], []>, transpose_lhs_hint = false} : vector<512x4096xf32>, vector<512x4096xf32>, vector<512x512xf32> -> vector<512x512xf32>
      %mul3A_29 = arith.constant 512 : i32
      %mul3A_30 = arith.muli %arg1, %mul3A_29 : i32
      %get3A_31 = arith.index_cast %mul3A_30 : i32 to index
      %get3A_32 = arith.constant 0 : index
      %get3A_33 = vector.load %arg6[%get3A_31, %get3A_32] : memref<1024x1xf32, #tpu.memory_space<vmem>>, vector<512x1xf32>
      %mul3A_34 = arith.constant 512 : i32
      %mul3A_35 = arith.muli %arg0, %mul3A_34 : i32
      %get3A_36 = arith.constant 0 : index
      %get3A_37 = arith.index_cast %mul3A_35 : i32 to index
      %get3A_38 = vector.load %arg7[%get3A_36, %get3A_37] : memref<1x1024xf32, #tpu.memory_space<vmem>>, vector<1x512xf32>
      %add3A = vector.broadcast %get3A_33 : vector<512x1xf32> to vector<512x512xf32>
      %add3A_39 = vector.broadcast %get3A_38 : vector<1x512xf32> to vector<512x512xf32>
      %add3A_40 = arith.addf %add3A, %add3A_39 : vector<512x512xf32>
      %mul3A_41 = arith.constant 2.000000e+00 : f32
      %mul3A_42 = vector.broadcast %mul3A_41 : f32 to vector<512x512xf32>
      %mul3A_43 = arith.mulf %mul3A_42, %dot_general3A_28 : vector<512x512xf32>
      %sub3A = arith.subf %add3A_40, %mul3A_43 : vector<512x512xf32>
      %max3A = arith.constant 0.000000e+00 : f32
      %max3A_44 = vector.broadcast %max3A : f32 to vector<512x512xf32>
      %max3A_45 = arith.maximumf %sub3A, %max3A_44 : vector<512x512xf32>
      %gt3A = arith.constant 0.000000e+00 : f32
      %gt3A_46 = vector.broadcast %gt3A : f32 to vector<512x512xf32>
      %gt3A_47 = arith.cmpf ogt, %max3A_45, %gt3A_46 : vector<512x512xf32>
      %jit3A = arith.constant 1.000000e+00 : f32
      %broadcast_in_dim3A = vector.broadcast %jit3A : f32 to vector<512x512xf32>
      %select_n3A = arith.select %gt3A_47, %max3A_45, %broadcast_in_dim3A : vector<512x512xi1>, vector<512x512xf32>
      %gt3A_48 = arith.constant 0.000000e+00 : f32
      %gt3A_49 = vector.broadcast %gt3A_48 : f32 to vector<512x512xf32>
      %gt3A_50 = arith.cmpf ogt, %max3A_45, %gt3A_49 : vector<512x512xf32>
      %sqrt3A = math.sqrt %select_n3A : vector<512x512xf32>
      %jit3A_51 = arith.constant 0.000000e+00 : f32
      %broadcast_in_dim3A_52 = vector.broadcast %jit3A_51 : f32 to vector<512x512xf32>
      %select_n3A_53 = arith.select %gt3A_50, %sqrt3A, %broadcast_in_dim3A_52 : vector<512x512xi1>, vector<512x512xf32>
      %mul3A_54 = arith.constant 512 : i32
      %mul3A_55 = arith.muli %arg1, %mul3A_54 : i32
      %swap3A = arith.index_cast %arg0 : i32 to index
      %swap3A_56 = arith.index_cast %mul3A_55 : i32 to index
      %swap3A_57 = arith.constant 0 : index
      %swap3A_58 = vector.load %arg4[%swap3A, %swap3A_56, %swap3A_57] : memref<2x1024x512xf32, #tpu.memory_space<vmem>>, vector<1x512x512xf32>
      %swap3A_59 = vector.shape_cast %swap3A_58 : vector<1x512x512xf32> to vector<512x512xf32>
      %swap3A_60 = vector.shape_cast %select_n3A_53 : vector<512x512xf32> to vector<1x512x512xf32>
      tpu.vector_store %arg4[%swap3A, %swap3A_56, %swap3A_57], %swap3A_60 {strides = array<i32>} : memref<2x1024x512xf32, #tpu.memory_space<vmem>>, vector<1x512x512xf32>,
      %gt3A_61 = arith.cmpi sgt, %arg1, %arg0 : i32
      %convert_element_type3A_62 = arith.extui %gt3A_61 : i1 to i32
      %cond3A_63 = arith.constant 0 : i32
      %cond3A_64 = arith.cmpi ne, %convert_element_type3A_62, %cond3A_63 : i32
      scf.if %cond3A_64 {
        %transpose3A = tpu.transpose %select_n3A_53, [1, 0] : vector<512x512xf32> -> vector<512x512xf32>
        %mul3A_65 = arith.constant 512 : i32
        %mul3A_66 = arith.muli %arg0, %mul3A_65 : i32
        %swap3A_67 = arith.index_cast %arg1 : i32 to index
        %swap3A_68 = arith.index_cast %mul3A_66 : i32 to index
        %swap3A_69 = arith.constant 0 : index
        %swap3A_70 = vector.load %arg4[%swap3A_67, %swap3A_68, %swap3A_69] : memref<2x1024x512xf32, #tpu.memory_space<vmem>>, vector<1x512x512xf32>
        %swap3A_71 = vector.shape_cast %swap3A_70 : vector<1x512x512xf32> to vector<512x512xf32>
        %swap3A_72 = vector.shape_cast %transpose3A : vector<512x512xf32> to vector<1x512x512xf32>
        tpu.vector_store %arg4[%swap3A_67, %swap3A_68, %swap3A_69], %swap3A_72 {strides = array<i32>} : memref<2x1024x512xf32, #tpu.memory_space<vmem>>, vector<1x512x512xf32>,
      } else {
      }
    } else {
    }
    %eq3A_7 = arith.constant 1 : i32
    %eq3A_8 = arith.cmpi eq, %arg1, %eq3A_7 : i32
    %convert_element_type3A_9 = arith.extui %eq3A_8 : i1 to i32
    %cond3A_10 = arith.constant 0 : i32
    %cond3A_11 = arith.cmpi ne, %convert_element_type3A_9, %cond3A_10 : i32
    scf.if %cond3A_11 {
      %get3A = arith.index_cast %arg0 : i32 to index
      %get3A_20 = arith.constant 0 : index
      %get3A_21 = arith.constant 0 : index
      %get3A_22 = vector.load %arg4[%get3A, %get3A_20, %get3A_21] : memref<2x1024x512xf32, #tpu.memory_space<vmem>>, vector<1x1024x512xf32>
      %get3A_23 = vector.shape_cast %get3A_22 : vector<1x1024x512xf32> to vector<1024x512xf32>
      %bitcast_convert_type3A = tpu.bitcast %get3A_23 : vector<1024x512xf32> -> vector<1024x512xi32>
      %reduce_sum3A = arith.constant dense<0.000000e+00> : vector<512xf32>
      %reduce_sum3A_24 = vector.multi_reduction <add>, %get3A_23, %reduce_sum3A [0] : vector<1024x512xf32> to vector<512xf32>
      %broadcast_in_dim3A = vector.shape_cast %reduce_sum3A_24 : vector<512xf32> to vector<1x512xf32>
      %reduce_min3A = arith.constant dense<0x7F800000> : vector<512xf32>
      %reduce_min3A_25 = vector.multi_reduction <minimumf>, %get3A_23, %reduce_min3A [0] : vector<1024x512xf32> to vector<512xf32>
      %broadcast_in_dim3A_26 = vector.shape_cast %reduce_min3A_25 : vector<512xf32> to vector<1x512xf32>
      %shift_right_logical3A = arith.constant 16 : i32
      %shift_right_logical3A_27 = vector.broadcast %shift_right_logical3A : i32 to vector<1024x512xi32>
      %shift_right_logical3A_28 = arith.shrui %bitcast_convert_type3A, %shift_right_logical3A_27 : vector<1024x512xi32>
      %convert_element_type3A_29 = arith.trunci %shift_right_logical3A_28 : vector<1024x512xi32> to vector<1024x512xi16>
      %xor3A = arith.constant 32768 : i32
      %xor3A_30 = vector.broadcast %xor3A : i32 to vector<1024x512xi32>
      %xor3A_31 = arith.xori %bitcast_convert_type3A, %xor3A_30 : vector<1024x512xi32>
      %convert_element_type3A_32 = arith.trunci %xor3A_31 : vector<1024x512xi32> to vector<1024x512xi16>
      %broadcast_in_dim3A_33 = arith.constant 0 : i16
      %broadcast_in_dim3A_34 = vector.broadcast %broadcast_in_dim3A_33 : i16 to vector<1x512xi16>
      %or3A = arith.constant 16384 : i16
      %or3A_35 = vector.broadcast %or3A : i16 to vector<1x512xi16>
      %or3A_36 = arith.ori %broadcast_in_dim3A_34, %or3A_35 : vector<1x512xi16>
      %ge3A_37 = vector.broadcast %or3A_36 : vector<1x512xi16> to vector<1024x512xi16>
      %ge3A_38 = arith.cmpi sge, %convert_element_type3A_29, %ge3A_37 : vector<1024x512xi16>
      %jit3A = arith.constant 1 : i16
      %jit3A_39 = arith.constant 0 : i16
      %broadcast_in_dim3A_40 = vector.broadcast %jit3A : i16 to vector<1024x512xi16>
      %broadcast_in_dim3A_41 = vector.broadcast %jit3A_39 : i16 to vector<1024x512xi16>
      %select_n3A = arith.select %ge3A_38, %broadcast_in_dim3A_40, %broadcast_in_dim3A_41 : vector<1024x512xi1>, vector<1024x512xi16>
      %slice3A = vector.extract_strided_slice %select_n3A {offsets = [0, 0], sizes = [512, 512], strides = [1, 1]} : vector<1024x512xi16> to vector<512x512xi16>
      %slice3A_42 = vector.extract_strided_slice %select_n3A {offsets = [512, 0], sizes = [512, 512], strides = [1, 1]} : vector<1024x512xi16> to vector<512x512xi16>
      %add3A = arith.addi %slice3A, %slice3A_42 : vector<512x512xi16>
      %slice3A_43 = vector.extract_strided_slice %add3A {offsets = [0, 0], sizes = [256, 512], strides = [1, 1]} : vector<512x512xi16> to vector<256x512xi16>
      %slice3A_44 = vector.extract_strided_slice %add3A {offsets = [256, 0], sizes = [256, 512], strides = [1, 1]} : vector<512x512xi16> to vector<256x512xi16>
      %add3A_45 = arith.addi %slice3A_43, %slice3A_44 : vector<256x512xi16>
      %slice3A_46 = vector.extract_strided_slice %add3A_45 {offsets = [0, 0], sizes = [128, 512], strides = [1, 1]} : vector<256x512xi16> to vector<128x512xi16>
      %slice3A_47 = vector.extract_strided_slice %add3A_45 {offsets = [128, 0], sizes = [128, 512], strides = [1, 1]} : vector<256x512xi16> to vector<128x512xi16>
      %add3A_48 = arith.addi %slice3A_46, %slice3A_47 : vector<128x512xi16>
      %slice3A_49 = vector.extract_strided_slice %add3A_48 {offsets = [0, 0], sizes = [64, 512], strides = [1, 1]} : vector<128x512xi16> to vector<64x512xi16>
      %slice3A_50 = vector.extract_strided_slice %add3A_48 {offsets = [64, 0], sizes = [64, 512], strides = [1, 1]} : vector<128x512xi16> to vector<64x512xi16>
      %add3A_51 = arith.addi %slice3A_49, %slice3A_50 : vector<64x512xi16>
      %slice3A_52 = vector.extract_strided_slice %add3A_51 {offsets = [0, 0], sizes = [32, 512], strides = [1, 1]} : vector<64x512xi16> to vector<32x512xi16>
      %slice3A_53 = vector.extract_strided_slice %add3A_51 {offsets = [32, 0], sizes = [32, 512], strides = [1, 1]} : vector<64x512xi16> to vector<32x512xi16>
      %add3A_54 = arith.addi %slice3A_52, %slice3A_53 : vector<32x512xi16>
      %slice3A_55 = vector.extract_strided_slice %add3A_54 {offsets = [0, 0], sizes = [16, 512], strides = [1, 1]} : vector<32x512xi16> to vector<16x512xi16>
      %slice3A_56 = vector.extract_strided_slice %add3A_54 {offsets = [16, 0], sizes = [16, 512], strides = [1, 1]} : vector<32x512xi16> to vector<16x512xi16>
      %add3A_57 = arith.addi %slice3A_55, %slice3A_56 : vector<16x512xi16>
      %slice3A_58 = vector.extract_strided_slice %add3A_57 {offsets = [0, 0], sizes = [8, 512], strides = [1, 1]} : vector<16x512xi16> to vector<8x512xi16>
      %slice3A_59 = vector.extract_strided_slice %add3A_57 {offsets = [8, 0], sizes = [8, 512], strides = [1, 1]} : vector<16x512xi16> to vector<8x512xi16>
      %add3A_60 = arith.addi %slice3A_58, %slice3A_59 : vector<8x512xi16>
      %slice3A_61 = vector.extract_strided_slice %add3A_60 {offsets = [0, 0], sizes = [4, 512], strides = [1, 1]} : vector<8x512xi16> to vector<4x512xi16>
      %slice3A_62 = vector.extract_strided_slice %add3A_60 {offsets = [4, 0], sizes = [4, 512], strides = [1, 1]} : vector<8x512xi16> to vector<4x512xi16>
      %add3A_63 = arith.addi %slice3A_61, %slice3A_62 : vector<4x512xi16>
      %slice3A_64 = vector.extract_strided_slice %add3A_63 {offsets = [0, 0], sizes = [2, 512], strides = [1, 1]} : vector<4x512xi16> to vector<2x512xi16>
      %slice3A_65 = vector.extract_strided_slice %add3A_63 {offsets = [2, 0], sizes = [2, 512], strides = [1, 1]} : vector<4x512xi16> to vector<2x512xi16>
      %add3A_66 = arith.addi %slice3A_64, %slice3A_65 : vector<2x512xi16>
      %slice3A_67 = vector.extract_strided_slice %add3A_66 {offsets = [0, 0], sizes = [1, 512], strides = [1, 1]} : vector<2x512xi16> to vector<1x512xi16>
      %slice3A_68 = vector.extract_strided_slice %add3A_66 {offsets = [1, 0], sizes = [1, 512], strides = [1, 1]} : vector<2x512xi16> to vector<1x512xi16>
      %add3A_69 = arith.addi %slice3A_67, %slice3A_68 : vector<1x512xi16>
      %ge3A_70 = arith.constant 103 : i16
      %ge3A_71 = vector.broadcast %ge3A_70 : i16 to vector<1x512xi16>
      %ge3A_72 = arith.cmpi sge, %add3A_69, %ge3A_71 : vector<1x512xi16>
      %select_n3A_73 = arith.select %ge3A_72, %or3A_36, %broadcast_in_dim3A_34 : vector<1x512xi1>, vector<1x512xi16>
      %or3A_74 = arith.constant 8192 : i16
      %or3A_75 = vector.broadcast %or3A_74 : i16 to vector<1x512xi16>
      %or3A_76 = arith.ori %select_n3A_73, %or3A_75 : vector<1x512xi16>
      %ge3A_77 = vector.broadcast %or3A_76 : vector<1x512xi16> to vector<1024x512xi16>
      %ge3A_78 = arith.cmpi sge, %convert_element_type3A_29, %ge3A_77 : vector<1024x512xi16>
      %jit3A_79 = arith.constant 1 : i16
      %jit3A_80 = arith.constant 0 : i16
      %broadcast_in_dim3A_81 = vector.broadcast %jit3A_79 : i16 to vector<1024x512xi16>
      %broadcast_in_dim3A_82 = vector.broadcast %jit3A_80 : i16 to vector<1024x512xi16>
      %select_n3A_83 = arith.select %ge3A_78, %broadcast_in_dim3A_81, %broadcast_in_dim3A_82 : vector<1024x512xi1>, vector<1024x512xi16>
      %slice3A_84 = vector.extract_strided_slice %select_n3A_83 {offsets = [0, 0], sizes = [512, 512], strides = [1, 1]} : vector<1024x512xi16> to vector<512x512xi16>
      %slice3A_85 = vector.extract_strided_slice %select_n3A_83 {offsets = [512, 0], sizes = [512, 512], strides = [1, 1]} : vector<1024x512xi16> to vector<512x512xi16>
      %add3A_86 = arith.addi %slice3A_84, %slice3A_85 : vector<512x512xi16>
      %slice3A_87 = vector.extract_strided_slice %add3A_86 {offsets = [0, 0], sizes = [256, 512], strides = [1, 1]} : vector<512x512xi16> to vector<256x512xi16>
      %slice3A_88 = vector.extract_strided_slice %add3A_86 {offsets = [256, 0], sizes = [256, 512], strides = [1, 1]} : vector<512x512xi16> to vector<256x512xi16>
      %add3A_89 = arith.addi %slice3A_87, %slice3A_88 : vector<256x512xi16>
      %slice3A_90 = vector.extract_strided_slice %add3A_89 {offsets = [0, 0], sizes = [128, 512], strides = [1, 1]} : vector<256x512xi16> to vector<128x512xi16>
      %slice3A_91 = vector.extract_strided_slice %add3A_89 {offsets = [128, 0], sizes = [128, 512], strides = [1, 1]} : vector<256x512xi16> to vector<128x512xi16>
      %add3A_92 = arith.addi %slice3A_90, %slice3A_91 : vector<128x512xi16>
      %slice3A_93 = vector.extract_strided_slice %add3A_92 {offsets = [0, 0], sizes = [64, 512], strides = [1, 1]} : vector<128x512xi16> to vector<64x512xi16>
      %slice3A_94 = vector.extract_strided_slice %add3A_92 {offsets = [64, 0], sizes = [64, 512], strides = [1, 1]} : vector<128x512xi16> to vector<64x512xi16>
      %add3A_95 = arith.addi %slice3A_93, %slice3A_94 : vector<64x512xi16>
      %slice3A_96 = vector.extract_strided_slice %add3A_95 {offsets = [0, 0], sizes = [32, 512], strides = [1, 1]} : vector<64x512xi16> to vector<32x512xi16>
      %slice3A_97 = vector.extract_strided_slice %add3A_95 {offsets = [32, 0], sizes = [32, 512], strides = [1, 1]} : vector<64x512xi16> to vector<32x512xi16>
      %add3A_98 = arith.addi %slice3A_96, %slice3A_97 : vector<32x512xi16>
      %slice3A_99 = vector.extract_strided_slice %add3A_98 {offsets = [0, 0], sizes = [16, 512], strides = [1, 1]} : vector<32x512xi16> to vector<16x512xi16>
      %slice3A_100 = vector.extract_strided_slice %add3A_98 {offsets = [16, 0], sizes = [16, 512], strides = [1, 1]} : vector<32x512xi16> to vector<16x512xi16>
      %add3A_101 = arith.addi %slice3A_99, %slice3A_100 : vector<16x512xi16>
      %slice3A_102 = vector.extract_strided_slice %add3A_101 {offsets = [0, 0], sizes = [8, 512], strides = [1, 1]} : vector<16x512xi16> to vector<8x512xi16>
      %slice3A_103 = vector.extract_strided_slice %add3A_101 {offsets = [8, 0], sizes = [8, 512], strides = [1, 1]} : vector<16x512xi16> to vector<8x512xi16>
      %add3A_104 = arith.addi %slice3A_102, %slice3A_103 : vector<8x512xi16>
      %slice3A_105 = vector.extract_strided_slice %add3A_104 {offsets = [0, 0], sizes = [4, 512], strides = [1, 1]} : vector<8x512xi16> to vector<4x512xi16>
      %slice3A_106 = vector.extract_strided_slice %add3A_104 {offsets = [4, 0], sizes = [4, 512], strides = [1, 1]} : vector<8x512xi16> to vector<4x512xi16>
      %add3A_107 = arith.addi %slice3A_105, %slice3A_106 : vector<4x512xi16>
      %slice3A_108 = vector.extract_strided_slice %add3A_107 {offsets = [0, 0], sizes = [2, 512], strides = [1, 1]} : vector<4x512xi16> to vector<2x512xi16>
      %slice3A_109 = vector.extract_strided_slice %add3A_107 {offsets = [2, 0], sizes = [2, 512], strides = [1, 1]} : vector<4x512xi16> to vector<2x512xi16>
      %add3A_110 = arith.addi %slice3A_108, %slice3A_109 : vector<2x512xi16>
      %slice3A_111 = vector.extract_strided_slice %add3A_110 {offsets = [0, 0], sizes = [1, 512], strides = [1, 1]} : vector<2x512xi16> to vector<1x512xi16>
      %slice3A_112 = vector.extract_strided_slice %add3A_110 {offsets = [1, 0], sizes = [1, 512], strides = [1, 1]} : vector<2x512xi16> to vector<1x512xi16>
      %add3A_113 = arith.addi %slice3A_111, %slice3A_112 : vector<1x512xi16>
      %ge3A_114 = arith.constant 103 : i16
      %ge3A_115 = vector.broadcast %ge3A_114 : i16 to vector<1x512xi16>
      %ge3A_116 = arith.cmpi sge, %add3A_113, %ge3A_115 : vector<1x512xi16>
      %select_n3A_117 = arith.select %ge3A_116, %or3A_76, %select_n3A_73 : vector<1x512xi1>, vector<1x512xi16>
      %or3A_118 = arith.constant 4096 : i16
      %or3A_119 = vector.broadcast %or3A_118 : i16 to vector<1x512xi16>
      %or3A_120 = arith.ori %select_n3A_117, %or3A_119 : vector<1x512xi16>
      %ge3A_121 = vector.broadcast %or3A_120 : vector<1x512xi16> to vector<1024x512xi16>
      %ge3A_122 = arith.cmpi sge, %convert_element_type3A_29, %ge3A_121 : vector<1024x512xi16>
      %jit3A_123 = arith.constant 1 : i16
      %jit3A_124 = arith.constant 0 : i16
      %broadcast_in_dim3A_125 = vector.broadcast %jit3A_123 : i16 to vector<1024x512xi16>
      %broadcast_in_dim3A_126 = vector.broadcast %jit3A_124 : i16 to vector<1024x512xi16>
      %select_n3A_127 = arith.select %ge3A_122, %broadcast_in_dim3A_125, %broadcast_in_dim3A_126 : vector<1024x512xi1>, vector<1024x512xi16>
      %slice3A_128 = vector.extract_strided_slice %select_n3A_127 {offsets = [0, 0], sizes = [512, 512], strides = [1, 1]} : vector<1024x512xi16> to vector<512x512xi16>
      %slice3A_129 = vector.extract_strided_slice %select_n3A_127 {offsets = [512, 0], sizes = [512, 512], strides = [1, 1]} : vector<1024x512xi16> to vector<512x512xi16>
      %add3A_130 = arith.addi %slice3A_128, %slice3A_129 : vector<512x512xi16>
      %slice3A_131 = vector.extract_strided_slice %add3A_130 {offsets = [0, 0], sizes = [256, 512], strides = [1, 1]} : vector<512x512xi16> to vector<256x512xi16>
      %slice3A_132 = vector.extract_strided_slice %add3A_130 {offsets = [256, 0], sizes = [256, 512], strides = [1, 1]} : vector<512x512xi16> to vector<256x512xi16>
      %add3A_133 = arith.addi %slice3A_131, %slice3A_132 : vector<256x512xi16>
      %slice3A_134 = vector.extract_strided_slice %add3A_133 {offsets = [0, 0], sizes = [128, 512], strides = [1, 1]} : vector<256x512xi16> to vector<128x512xi16>
      %slice3A_135 = vector.extract_strided_slice %add3A_133 {offsets = [128, 0], sizes = [128, 512], strides = [1, 1]} : vector<256x512xi16> to vector<128x512xi16>
      %add3A_136 = arith.addi %slice3A_134, %slice3A_135 : vector<128x512xi16>
      %slice3A_137 = vector.extract_strided_slice %add3A_136 {offsets = [0, 0], sizes = [64, 512], strides = [1, 1]} : vector<128x512xi16> to vector<64x512xi16>
      %slice3A_138 = vector.extract_strided_slice %add3A_136 {offsets = [64, 0], sizes = [64, 512], strides = [1, 1]} : vector<128x512xi16> to vector<64x512xi16>
      %add3A_139 = arith.addi %slice3A_137, %slice3A_138 : vector<64x512xi16>
      %slice3A_140 = vector.extract_strided_slice %add3A_139 {offsets = [0, 0], sizes = [32, 512], strides = [1, 1]} : vector<64x512xi16> to vector<32x512xi16>
      %slice3A_141 = vector.extract_strided_slice %add3A_139 {offsets = [32, 0], sizes = [32, 512], strides = [1, 1]} : vector<64x512xi16> to vector<32x512xi16>
      %add3A_142 = arith.addi %slice3A_140, %slice3A_141 : vector<32x512xi16>
      %slice3A_143 = vector.extract_strided_slice %add3A_142 {offsets = [0, 0], sizes = [16, 512], strides = [1, 1]} : vector<32x512xi16> to vector<16x512xi16>
      %slice3A_144 = vector.extract_strided_slice %add3A_142 {offsets = [16, 0], sizes = [16, 512], strides = [1, 1]} : vector<32x512xi16> to vector<16x512xi16>
      %add3A_145 = arith.addi %slice3A_143, %slice3A_144 : vector<16x512xi16>
      %slice3A_146 = vector.extract_strided_slice %add3A_145 {offsets = [0, 0], sizes = [8, 512], strides = [1, 1]} : vector<16x512xi16> to vector<8x512xi16>
      %slice3A_147 = vector.extract_strided_slice %add3A_145 {offsets = [8, 0], sizes = [8, 512], strides = [1, 1]} : vector<16x512xi16> to vector<8x512xi16>
      %add3A_148 = arith.addi %slice3A_146, %slice3A_147 : vector<8x512xi16>
      %slice3A_149 = vector.extract_strided_slice %add3A_148 {offsets = [0, 0], sizes = [4, 512], strides = [1, 1]} : vector<8x512xi16> to vector<4x512xi16>
      %slice3A_150 = vector.extract_strided_slice %add3A_148 {offsets = [4, 0], sizes = [4, 512], strides = [1, 1]} : vector<8x512xi16> to vector<4x512xi16>
      %add3A_151 = arith.addi %slice3A_149, %slice3A_150 : vector<4x512xi16>
      %slice3A_152 = vector.extract_strided_slice %add3A_151 {offsets = [0, 0], sizes = [2, 512], strides = [1, 1]} : vector<4x512xi16> to vector<2x512xi16>
      %slice3A_153 = vector.extract_strided_slice %add3A_151 {offsets = [2, 0], sizes = [2, 512], strides = [1, 1]} : vector<4x512xi16> to vector<2x512xi16>
      %add3A_154 = arith.addi %slice3A_152, %slice3A_153 : vector<2x512xi16>
      %slice3A_155 = vector.extract_strided_slice %add3A_154 {offsets = [0, 0], sizes = [1, 512], strides = [1, 1]} : vector<2x512xi16> to vector<1x512xi16>
      %slice3A_156 = vector.extract_strided_slice %add3A_154 {offsets = [1, 0], sizes = [1, 512], strides = [1, 1]} : vector<2x512xi16> to vector<1x512xi16>
      %add3A_157 = arith.addi %slice3A_155, %slice3A_156 : vector<1x512xi16>
      %ge3A_158 = arith.constant 103 : i16
      %ge3A_159 = vector.broadcast %ge3A_158 : i16 to vector<1x512xi16>
      %ge3A_160 = arith.cmpi sge, %add3A_157, %ge3A_159 : vector<1x512xi16>
      %select_n3A_161 = arith.select %ge3A_160, %or3A_120, %select_n3A_117 : vector<1x512xi1>, vector<1x512xi16>
      %or3A_162 = arith.constant 2048 : i16
      %or3A_163 = vector.broadcast %or3A_162 : i16 to vector<1x512xi16>
      %or3A_164 = arith.ori %select_n3A_161, %or3A_163 : vector<1x512xi16>
      %ge3A_165 = vector.broadcast %or3A_164 : vector<1x512xi16> to vector<1024x512xi16>
      %ge3A_166 = arith.cmpi sge, %convert_element_type3A_29, %ge3A_165 : vector<1024x512xi16>
      %jit3A_167 = arith.constant 1 : i16
      %jit3A_168 = arith.constant 0 : i16
      %broadcast_in_dim3A_169 = vector.broadcast %jit3A_167 : i16 to vector<1024x512xi16>
      %broadcast_in_dim3A_170 = vector.broadcast %jit3A_168 : i16 to vector<1024x512xi16>
      %select_n3A_171 = arith.select %ge3A_166, %broadcast_in_dim3A_169, %broadcast_in_dim3A_170 : vector<1024x512xi1>, vector<1024x512xi16>
      %slice3A_172 = vector.extract_strided_slice %select_n3A_171 {offsets = [0, 0], sizes = [512, 512], strides = [1, 1]} : vector<1024x512xi16> to vector<512x512xi16>
      %slice3A_173 = vector.extract_strided_slice %select_n3A_171 {offsets = [512, 0], sizes = [512, 512], strides = [1, 1]} : vector<1024x512xi16> to vector<512x512xi16>
      %add3A_174 = arith.addi %slice3A_172, %slice3A_173 : vector<512x512xi16>
      %slice3A_175 = vector.extract_strided_slice %add3A_174 {offsets = [0, 0], sizes = [256, 512], strides = [1, 1]} : vector<512x512xi16> to vector<256x512xi16>
      %slice3A_176 = vector.extract_strided_slice %add3A_174 {offsets = [256, 0], sizes = [256, 512], strides = [1, 1]} : vector<512x512xi16> to vector<256x512xi16>
      %add3A_177 = arith.addi %slice3A_175, %slice3A_176 : vector<256x512xi16>
      %slice3A_178 = vector.extract_strided_slice %add3A_177 {offsets = [0, 0], sizes = [128, 512], strides = [1, 1]} : vector<256x512xi16> to vector<128x512xi16>
      %slice3A_179 = vector.extract_strided_slice %add3A_177 {offsets = [128, 0], sizes = [128, 512], strides = [1, 1]} : vector<256x512xi16> to vector<128x512xi16>
      %add3A_180 = arith.addi %slice3A_178, %slice3A_179 : vector<128x512xi16>
      %slice3A_181 = vector.extract_strided_slice %add3A_180 {offsets = [0, 0], sizes = [64, 512], strides = [1, 1]} : vector<128x512xi16> to vector<64x512xi16>
      %slice3A_182 = vector.extract_strided_slice %add3A_180 {offsets = [64, 0], sizes = [64, 512], strides = [1, 1]} : vector<128x512xi16> to vector<64x512xi16>
      %add3A_183 = arith.addi %slice3A_181, %slice3A_182 : vector<64x512xi16>
      %slice3A_184 = vector.extract_strided_slice %add3A_183 {offsets = [0, 0], sizes = [32, 512], strides = [1, 1]} : vector<64x512xi16> to vector<32x512xi16>
      %slice3A_185 = vector.extract_strided_slice %add3A_183 {offsets = [32, 0], sizes = [32, 512], strides = [1, 1]} : vector<64x512xi16> to vector<32x512xi16>
      %add3A_186 = arith.addi %slice3A_184, %slice3A_185 : vector<32x512xi16>
      %slice3A_187 = vector.extract_strided_slice %add3A_186 {offsets = [0, 0], sizes = [16, 512], strides = [1, 1]} : vector<32x512xi16> to vector<16x512xi16>
      %slice3A_188 = vector.extract_strided_slice %add3A_186 {offsets = [16, 0], sizes = [16, 512], strides = [1, 1]} : vector<32x512xi16> to vector<16x512xi16>
      %add3A_189 = arith.addi %slice3A_187, %slice3A_188 : vector<16x512xi16>
      %slice3A_190 = vector.extract_strided_slice %add3A_189 {offsets = [0, 0], sizes = [8, 512], strides = [1, 1]} : vector<16x512xi16> to vector<8x512xi16>
      %slice3A_191 = vector.extract_strided_slice %add3A_189 {offsets = [8, 0], sizes = [8, 512], strides = [1, 1]} : vector<16x512xi16> to vector<8x512xi16>
      %add3A_192 = arith.addi %slice3A_190, %slice3A_191 : vector<8x512xi16>
      %slice3A_193 = vector.extract_strided_slice %add3A_192 {offsets = [0, 0], sizes = [4, 512], strides = [1, 1]} : vector<8x512xi16> to vector<4x512xi16>
      %slice3A_194 = vector.extract_strided_slice %add3A_192 {offsets = [4, 0], sizes = [4, 512], strides = [1, 1]} : vector<8x512xi16> to vector<4x512xi16>
      %add3A_195 = arith.addi %slice3A_193, %slice3A_194 : vector<4x512xi16>
      %slice3A_196 = vector.extract_strided_slice %add3A_195 {offsets = [0, 0], sizes = [2, 512], strides = [1, 1]} : vector<4x512xi16> to vector<2x512xi16>
      %slice3A_197 = vector.extract_strided_slice %add3A_195 {offsets = [2, 0], sizes = [2, 512], strides = [1, 1]} : vector<4x512xi16> to vector<2x512xi16>
      %add3A_198 = arith.addi %slice3A_196, %slice3A_197 : vector<2x512xi16>
      %slice3A_199 = vector.extract_strided_slice %add3A_198 {offsets = [0, 0], sizes = [1, 512], strides = [1, 1]} : vector<2x512xi16> to vector<1x512xi16>
      %slice3A_200 = vector.extract_strided_slice %add3A_198 {offsets = [1, 0], sizes = [1, 512], strides = [1, 1]} : vector<2x512xi16> to vector<1x512xi16>
      %add3A_201 = arith.addi %slice3A_199, %slice3A_200 : vector<1x512xi16>
      %ge3A_202 = arith.constant 103 : i16
      %ge3A_203 = vector.broadcast %ge3A_202 : i16 to vector<1x512xi16>
      %ge3A_204 = arith.cmpi sge, %add3A_201, %ge3A_203 : vector<1x512xi16>
      %select_n3A_205 = arith.select %ge3A_204, %or3A_164, %select_n3A_161 : vector<1x512xi1>, vector<1x512xi16>
      %or3A_206 = arith.constant 1024 : i16
      %or3A_207 = vector.broadcast %or3A_206 : i16 to vector<1x512xi16>
      %or3A_208 = arith.ori %select_n3A_205, %or3A_207 : vector<1x512xi16>
      %ge3A_209 = vector.broadcast %or3A_208 : vector<1x512xi16> to vector<1024x512xi16>
      %ge3A_210 = arith.cmpi sge, %convert_element_type3A_29, %ge3A_209 : vector<1024x512xi16>
      %jit3A_211 = arith.constant 1 : i16
      %jit3A_212 = arith.constant 0 : i16
      %broadcast_in_dim3A_213 = vector.broadcast %jit3A_211 : i16 to vector<1024x512xi16>
      %broadcast_in_dim3A_214 = vector.broadcast %jit3A_212 : i16 to vector<1024x512xi16>
      %select_n3A_215 = arith.select %ge3A_210, %broadcast_in_dim3A_213, %broadcast_in_dim3A_214 : vector<1024x512xi1>, vector<1024x512xi16>
      %slice3A_216 = vector.extract_strided_slice %select_n3A_215 {offsets = [0, 0], sizes = [512, 512], strides = [1, 1]} : vector<1024x512xi16> to vector<512x512xi16>
      %slice3A_217 = vector.extract_strided_slice %select_n3A_215 {offsets = [512, 0], sizes = [512, 512], strides = [1, 1]} : vector<1024x512xi16> to vector<512x512xi16>
      %add3A_218 = arith.addi %slice3A_216, %slice3A_217 : vector<512x512xi16>
      %slice3A_219 = vector.extract_strided_slice %add3A_218 {offsets = [0, 0], sizes = [256, 512], strides = [1, 1]} : vector<512x512xi16> to vector<256x512xi16>
      %slice3A_220 = vector.extract_strided_slice %add3A_218 {offsets = [256, 0], sizes = [256, 512], strides = [1, 1]} : vector<512x512xi16> to vector<256x512xi16>
      %add3A_221 = arith.addi %slice3A_219, %slice3A_220 : vector<256x512xi16>
      %slice3A_222 = vector.extract_strided_slice %add3A_221 {offsets = [0, 0], sizes = [128, 512], strides = [1, 1]} : vector<256x512xi16> to vector<128x512xi16>
      %slice3A_223 = vector.extract_strided_slice %add3A_221 {offsets = [128, 0], sizes = [128, 512], strides = [1, 1]} : vector<256x512xi16> to vector<128x512xi16>
      %add3A_224 = arith.addi %slice3A_222, %slice3A_223 : vector<128x512xi16>
      %slice3A_225 = vector.extract_strided_slice %add3A_224 {offsets = [0, 0], sizes = [64, 512], strides = [1, 1]} : vector<128x512xi16> to vector<64x512xi16>
      %slice3A_226 = vector.extract_strided_slice %add3A_224 {offsets = [64, 0], sizes = [64, 512], strides = [1, 1]} : vector<128x512xi16> to vector<64x512xi16>
      %add3A_227 = arith.addi %slice3A_225, %slice3A_226 : vector<64x512xi16>
      %slice3A_228 = vector.extract_strided_slice %add3A_227 {offsets = [0, 0], sizes = [32, 512], strides = [1, 1]} : vector<64x512xi16> to vector<32x512xi16>
      %slice3A_229 = vector.extract_strided_slice %add3A_227 {offsets = [32, 0], sizes = [32, 512], strides = [1, 1]} : vector<64x512xi16> to vector<32x512xi16>
      %add3A_230 = arith.addi %slice3A_228, %slice3A_229 : vector<32x512xi16>
      %slice3A_231 = vector.extract_strided_slice %add3A_230 {offsets = [0, 0], sizes = [16, 512], strides = [1, 1]} : vector<32x512xi16> to vector<16x512xi16>
      %slice3A_232 = vector.extract_strided_slice %add3A_230 {offsets = [16, 0], sizes = [16, 512], strides = [1, 1]} : vector<32x512xi16> to vector<16x512xi16>
      %add3A_233 = arith.addi %slice3A_231, %slice3A_232 : vector<16x512xi16>
      %slice3A_234 = vector.extract_strided_slice %add3A_233 {offsets = [0, 0], sizes = [8, 512], strides = [1, 1]} : vector<16x512xi16> to vector<8x512xi16>
      %slice3A_235 = vector.extract_strided_slice %add3A_233 {offsets = [8, 0], sizes = [8, 512], strides = [1, 1]} : vector<16x512xi16> to vector<8x512xi16>
      %add3A_236 = arith.addi %slice3A_234, %slice3A_235 : vector<8x512xi16>
      %slice3A_237 = vector.extract_strided_slice %add3A_236 {offsets = [0, 0], sizes = [4, 512], strides = [1, 1]} : vector<8x512xi16> to vector<4x512xi16>
      %slice3A_238 = vector.extract_strided_slice %add3A_236 {offsets = [4, 0], sizes = [4, 512], strides = [1, 1]} : vector<8x512xi16> to vector<4x512xi16>
      %add3A_239 = arith.addi %slice3A_237, %slice3A_238 : vector<4x512xi16>
      %slice3A_240 = vector.extract_strided_slice %add3A_239 {offsets = [0, 0], sizes = [2, 512], strides = [1, 1]} : vector<4x512xi16> to vector<2x512xi16>
      %slice3A_241 = vector.extract_strided_slice %add3A_239 {offsets = [2, 0], sizes = [2, 512], strides = [1, 1]} : vector<4x512xi16> to vector<2x512xi16>
      %add3A_242 = arith.addi %slice3A_240, %slice3A_241 : vector<2x512xi16>
      %slice3A_243 = vector.extract_strided_slice %add3A_242 {offsets = [0, 0], sizes = [1, 512], strides = [1, 1]} : vector<2x512xi16> to vector<1x512xi16>
      %slice3A_244 = vector.extract_strided_slice %add3A_242 {offsets = [1, 0], sizes = [1, 512], strides = [1, 1]} : vector<2x512xi16> to vector<1x512xi16>
      %add3A_245 = arith.addi %slice3A_243, %slice3A_244 : vector<1x512xi16>
      %ge3A_246 = arith.constant 103 : i16
      %ge3A_247 = vector.broadcast %ge3A_246 : i16 to vector<1x512xi16>
      %ge3A_248 = arith.cmpi sge, %add3A_245, %ge3A_247 : vector<1x512xi16>
      %select_n3A_249 = arith.select %ge3A_248, %or3A_208, %select_n3A_205 : vector<1x512xi1>, vector<1x512xi16>
      %or3A_250 = arith.constant 512 : i16
      %or3A_251 = vector.broadcast %or3A_250 : i16 to vector<1x512xi16>
      %or3A_252 = arith.ori %select_n3A_249, %or3A_251 : vector<1x512xi16>
      %ge3A_253 = vector.broadcast %or3A_252 : vector<1x512xi16> to vector<1024x512xi16>
      %ge3A_254 = arith.cmpi sge, %convert_element_type3A_29, %ge3A_253 : vector<1024x512xi16>
      %jit3A_255 = arith.constant 1 : i16
      %jit3A_256 = arith.constant 0 : i16
      %broadcast_in_dim3A_257 = vector.broadcast %jit3A_255 : i16 to vector<1024x512xi16>
      %broadcast_in_dim3A_258 = vector.broadcast %jit3A_256 : i16 to vector<1024x512xi16>
      %select_n3A_259 = arith.select %ge3A_254, %broadcast_in_dim3A_257, %broadcast_in_dim3A_258 : vector<1024x512xi1>, vector<1024x512xi16>
      %slice3A_260 = vector.extract_strided_slice %select_n3A_259 {offsets = [0, 0], sizes = [512, 512], strides = [1, 1]} : vector<1024x512xi16> to vector<512x512xi16>
      %slice3A_261 = vector.extract_strided_slice %select_n3A_259 {offsets = [512, 0], sizes = [512, 512], strides = [1, 1]} : vector<1024x512xi16> to vector<512x512xi16>
      %add3A_262 = arith.addi %slice3A_260, %slice3A_261 : vector<512x512xi16>
      %slice3A_263 = vector.extract_strided_slice %add3A_262 {offsets = [0, 0], sizes = [256, 512], strides = [1, 1]} : vector<512x512xi16> to vector<256x512xi16>
      %slice3A_264 = vector.extract_strided_slice %add3A_262 {offsets = [256, 0], sizes = [256, 512], strides = [1, 1]} : vector<512x512xi16> to vector<256x512xi16>
      %add3A_265 = arith.addi %slice3A_263, %slice3A_264 : vector<256x512xi16>
      %slice3A_266 = vector.extract_strided_slice %add3A_265 {offsets = [0, 0], sizes = [128, 512], strides = [1, 1]} : vector<256x512xi16> to vector<128x512xi16>
      %slice3A_267 = vector.extract_strided_slice %add3A_265 {offsets = [128, 0], sizes = [128, 512], strides = [1, 1]} : vector<256x512xi16> to vector<128x512xi16>
      %add3A_268 = arith.addi %slice3A_266, %slice3A_267 : vector<128x512xi16>
      %slice3A_269 = vector.extract_strided_slice %add3A_268 {offsets = [0, 0], sizes = [64, 512], strides = [1, 1]} : vector<128x512xi16> to vector<64x512xi16>
      %slice3A_270 = vector.extract_strided_slice %add3A_268 {offsets = [64, 0], sizes = [64, 512], strides = [1, 1]} : vector<128x512xi16> to vector<64x512xi16>
      %add3A_271 = arith.addi %slice3A_269, %slice3A_270 : vector<64x512xi16>
      %slice3A_272 = vector.extract_strided_slice %add3A_271 {offsets = [0, 0], sizes = [32, 512], strides = [1, 1]} : vector<64x512xi16> to vector<32x512xi16>
      %slice3A_273 = vector.extract_strided_slice %add3A_271 {offsets = [32, 0], sizes = [32, 512], strides = [1, 1]} : vector<64x512xi16> to vector<32x512xi16>
      %add3A_274 = arith.addi %slice3A_272, %slice3A_273 : vector<32x512xi16>
      %slice3A_275 = vector.extract_strided_slice %add3A_274 {offsets = [0, 0], sizes = [16, 512], strides = [1, 1]} : vector<32x512xi16> to vector<16x512xi16>
      %slice3A_276 = vector.extract_strided_slice %add3A_274 {offsets = [16, 0], sizes = [16, 512], strides = [1, 1]} : vector<32x512xi16> to vector<16x512xi16>
      %add3A_277 = arith.addi %slice3A_275, %slice3A_276 : vector<16x512xi16>
      %slice3A_278 = vector.extract_strided_slice %add3A_277 {offsets = [0, 0], sizes = [8, 512], strides = [1, 1]} : vector<16x512xi16> to vector<8x512xi16>
      %slice3A_279 = vector.extract_strided_slice %add3A_277 {offsets = [8, 0], sizes = [8, 512], strides = [1, 1]} : vector<16x512xi16> to vector<8x512xi16>
      %add3A_280 = arith.addi %slice3A_278, %slice3A_279 : vector<8x512xi16>
      %slice3A_281 = vector.extract_strided_slice %add3A_280 {offsets = [0, 0], sizes = [4, 512], strides = [1, 1]} : vector<8x512xi16> to vector<4x512xi16>
      %slice3A_282 = vector.extract_strided_slice %add3A_280 {offsets = [4, 0], sizes = [4, 512], strides = [1, 1]} : vector<8x512xi16> to vector<4x512xi16>
      %add3A_283 = arith.addi %slice3A_281, %slice3A_282 : vector<4x512xi16>
      %slice3A_284 = vector.extract_strided_slice %add3A_283 {offsets = [0, 0], sizes = [2, 512], strides = [1, 1]} : vector<4x512xi16> to vector<2x512xi16>
      %slice3A_285 = vector.extract_strided_slice %add3A_283 {offsets = [2, 0], sizes = [2, 512], strides = [1, 1]} : vector<4x512xi16> to vector<2x512xi16>
      %add3A_286 = arith.addi %slice3A_284, %slice3A_285 : vector<2x512xi16>
      %slice3A_287 = vector.extract_strided_slice %add3A_286 {offsets = [0, 0], sizes = [1, 512], strides = [1, 1]} : vector<2x512xi16> to vector<1x512xi16>
      %slice3A_288 = vector.extract_strided_slice %add3A_286 {offsets = [1, 0], sizes = [1, 512], strides = [1, 1]} : vector<2x512xi16> to vector<1x512xi16>
      %add3A_289 = arith.addi %slice3A_287, %slice3A_288 : vector<1x512xi16>
      %ge3A_290 = arith.constant 103 : i16
      %ge3A_291 = vector.broadcast %ge3A_290 : i16 to vector<1x512xi16>
      %ge3A_292 = arith.cmpi sge, %add3A_289, %ge3A_291 : vector<1x512xi16>
      %select_n3A_293 = arith.select %ge3A_292, %or3A_252, %select_n3A_249 : vector<1x512xi1>, vector<1x512xi16>
      %or3A_294 = arith.constant 256 : i16
      %or3A_295 = vector.broadcast %or3A_294 : i16 to vector<1x512xi16>
      %or3A_296 = arith.ori %select_n3A_293, %or3A_295 : vector<1x512xi16>
      %ge3A_297 = vector.broadcast %or3A_296 : vector<1x512xi16> to vector<1024x512xi16>
      %ge3A_298 = arith.cmpi sge, %convert_element_type3A_29, %ge3A_297 : vector<1024x512xi16>
      %jit3A_299 = arith.constant 1 : i16
      %jit3A_300 = arith.constant 0 : i16
      %broadcast_in_dim3A_301 = vector.broadcast %jit3A_299 : i16 to vector<1024x512xi16>
      %broadcast_in_dim3A_302 = vector.broadcast %jit3A_300 : i16 to vector<1024x512xi16>
      %select_n3A_303 = arith.select %ge3A_298, %broadcast_in_dim3A_301, %broadcast_in_dim3A_302 : vector<1024x512xi1>, vector<1024x512xi16>
      %slice3A_304 = vector.extract_strided_slice %select_n3A_303 {offsets = [0, 0], sizes = [512, 512], strides = [1, 1]} : vector<1024x512xi16> to vector<512x512xi16>
      %slice3A_305 = vector.extract_strided_slice %select_n3A_303 {offsets = [512, 0], sizes = [512, 512], strides = [1, 1]} : vector<1024x512xi16> to vector<512x512xi16>
      %add3A_306 = arith.addi %slice3A_304, %slice3A_305 : vector<512x512xi16>
      %slice3A_307 = vector.extract_strided_slice %add3A_306 {offsets = [0, 0], sizes = [256, 512], strides = [1, 1]} : vector<512x512xi16> to vector<256x512xi16>
      %slice3A_308 = vector.extract_strided_slice %add3A_306 {offsets = [256, 0], sizes = [256, 512], strides = [1, 1]} : vector<512x512xi16> to vector<256x512xi16>
      %add3A_309 = arith.addi %slice3A_307, %slice3A_308 : vector<256x512xi16>
      %slice3A_310 = vector.extract_strided_slice %add3A_309 {offsets = [0, 0], sizes = [128, 512], strides = [1, 1]} : vector<256x512xi16> to vector<128x512xi16>
      %slice3A_311 = vector.extract_strided_slice %add3A_309 {offsets = [128, 0], sizes = [128, 512], strides = [1, 1]} : vector<256x512xi16> to vector<128x512xi16>
      %add3A_312 = arith.addi %slice3A_310, %slice3A_311 : vector<128x512xi16>
      %slice3A_313 = vector.extract_strided_slice %add3A_312 {offsets = [0, 0], sizes = [64, 512], strides = [1, 1]} : vector<128x512xi16> to vector<64x512xi16>
      %slice3A_314 = vector.extract_strided_slice %add3A_312 {offsets = [64, 0], sizes = [64, 512], strides = [1, 1]} : vector<128x512xi16> to vector<64x512xi16>
      %add3A_315 = arith.addi %slice3A_313, %slice3A_314 : vector<64x512xi16>
      %slice3A_316 = vector.extract_strided_slice %add3A_315 {offsets = [0, 0], sizes = [32, 512], strides = [1, 1]} : vector<64x512xi16> to vector<32x512xi16>
      %slice3A_317 = vector.extract_strided_slice %add3A_315 {offsets = [32, 0], sizes = [32, 512], strides = [1, 1]} : vector<64x512xi16> to vector<32x512xi16>
      %add3A_318 = arith.addi %slice3A_316, %slice3A_317 : vector<32x512xi16>
      %slice3A_319 = vector.extract_strided_slice %add3A_318 {offsets = [0, 0], sizes = [16, 512], strides = [1, 1]} : vector<32x512xi16> to vector<16x512xi16>
      %slice3A_320 = vector.extract_strided_slice %add3A_318 {offsets = [16, 0], sizes = [16, 512], strides = [1, 1]} : vector<32x512xi16> to vector<16x512xi16>
      %add3A_321 = arith.addi %slice3A_319, %slice3A_320 : vector<16x512xi16>
      %slice3A_322 = vector.extract_strided_slice %add3A_321 {offsets = [0, 0], sizes = [8, 512], strides = [1, 1]} : vector<16x512xi16> to vector<8x512xi16>
      %slice3A_323 = vector.extract_strided_slice %add3A_321 {offsets = [8, 0], sizes = [8, 512], strides = [1, 1]} : vector<16x512xi16> to vector<8x512xi16>
      %add3A_324 = arith.addi %slice3A_322, %slice3A_323 : vector<8x512xi16>
      %slice3A_325 = vector.extract_strided_slice %add3A_324 {offsets = [0, 0], sizes = [4, 512], strides = [1, 1]} : vector<8x512xi16> to vector<4x512xi16>
      %slice3A_326 = vector.extract_strided_slice %add3A_324 {offsets = [4, 0], sizes = [4, 512], strides = [1, 1]} : vector<8x512xi16> to vector<4x512xi16>
      %add3A_327 = arith.addi %slice3A_325, %slice3A_326 : vector<4x512xi16>
      %slice3A_328 = vector.extract_strided_slice %add3A_327 {offsets = [0, 0], sizes = [2, 512], strides = [1, 1]} : vector<4x512xi16> to vector<2x512xi16>
      %slice3A_329 = vector.extract_strided_slice %add3A_327 {offsets = [2, 0], sizes = [2, 512], strides = [1, 1]} : vector<4x512xi16> to vector<2x512xi16>
      %add3A_330 = arith.addi %slice3A_328, %slice3A_329 : vector<2x512xi16>
      %slice3A_331 = vector.extract_strided_slice %add3A_330 {offsets = [0, 0], sizes = [1, 512], strides = [1, 1]} : vector<2x512xi16> to vector<1x512xi16>
      %slice3A_332 = vector.extract_strided_slice %add3A_330 {offsets = [1, 0], sizes = [1, 512], strides = [1, 1]} : vector<2x512xi16> to vector<1x512xi16>
      %add3A_333 = arith.addi %slice3A_331, %slice3A_332 : vector<1x512xi16>
      %ge3A_334 = arith.constant 103 : i16
      %ge3A_335 = vector.broadcast %ge3A_334 : i16 to vector<1x512xi16>
      %ge3A_336 = arith.cmpi sge, %add3A_333, %ge3A_335 : vector<1x512xi16>
      %select_n3A_337 = arith.select %ge3A_336, %or3A_296, %select_n3A_293 : vector<1x512xi1>, vector<1x512xi16>
      %or3A_338 = arith.constant 128 : i16
      %or3A_339 = vector.broadcast %or3A_338 : i16 to vector<1x512xi16>
      %or3A_340 = arith.ori %select_n3A_337, %or3A_339 : vector<1x512xi16>
      %ge3A_341 = vector.broadcast %or3A_340 : vector<1x512xi16> to vector<1024x512xi16>
      %ge3A_342 = arith.cmpi sge, %convert_element_type3A_29, %ge3A_341 : vector<1024x512xi16>
      %jit3A_343 = arith.constant 1 : i16
      %jit3A_344 = arith.constant 0 : i16
      %broadcast_in_dim3A_345 = vector.broadcast %jit3A_343 : i16 to vector<1024x512xi16>
      %broadcast_in_dim3A_346 = vector.broadcast %jit3A_344 : i16 to vector<1024x512xi16>
      %select_n3A_347 = arith.select %ge3A_342, %broadcast_in_dim3A_345, %broadcast_in_dim3A_346 : vector<1024x512xi1>, vector<1024x512xi16>
      %slice3A_348 = vector.extract_strided_slice %select_n3A_347 {offsets = [0, 0], sizes = [512, 512], strides = [1, 1]} : vector<1024x512xi16> to vector<512x512xi16>
      %slice3A_349 = vector.extract_strided_slice %select_n3A_347 {offsets = [512, 0], sizes = [512, 512], strides = [1, 1]} : vector<1024x512xi16> to vector<512x512xi16>
      %add3A_350 = arith.addi %slice3A_348, %slice3A_349 : vector<512x512xi16>
      %slice3A_351 = vector.extract_strided_slice %add3A_350 {offsets = [0, 0], sizes = [256, 512], strides = [1, 1]} : vector<512x512xi16> to vector<256x512xi16>
      %slice3A_352 = vector.extract_strided_slice %add3A_350 {offsets = [256, 0], sizes = [256, 512], strides = [1, 1]} : vector<512x512xi16> to vector<256x512xi16>
      %add3A_353 = arith.addi %slice3A_351, %slice3A_352 : vector<256x512xi16>
      %slice3A_354 = vector.extract_strided_slice %add3A_353 {offsets = [0, 0], sizes = [128, 512], strides = [1, 1]} : vector<256x512xi16> to vector<128x512xi16>
      %slice3A_355 = vector.extract_strided_slice %add3A_353 {offsets = [128, 0], sizes = [128, 512], strides = [1, 1]} : vector<256x512xi16> to vector<128x512xi16>
      %add3A_356 = arith.addi %slice3A_354, %slice3A_355 : vector<128x512xi16>
      %slice3A_357 = vector.extract_strided_slice %add3A_356 {offsets = [0, 0], sizes = [64, 512], strides = [1, 1]} : vector<128x512xi16> to vector<64x512xi16>
      %slice3A_358 = vector.extract_strided_slice %add3A_356 {offsets = [64, 0], sizes = [64, 512], strides = [1, 1]} : vector<128x512xi16> to vector<64x512xi16>
      %add3A_359 = arith.addi %slice3A_357, %slice3A_358 : vector<64x512xi16>
      %slice3A_360 = vector.extract_strided_slice %add3A_359 {offsets = [0, 0], sizes = [32, 512], strides = [1, 1]} : vector<64x512xi16> to vector<32x512xi16>
      %slice3A_361 = vector.extract_strided_slice %add3A_359 {offsets = [32, 0], sizes = [32, 512], strides = [1, 1]} : vector<64x512xi16> to vector<32x512xi16>
      %add3A_362 = arith.addi %slice3A_360, %slice3A_361 : vector<32x512xi16>
      %slice3A_363 = vector.extract_strided_slice %add3A_362 {offsets = [0, 0], sizes = [16, 512], strides = [1, 1]} : vector<32x512xi16> to vector<16x512xi16>
      %slice3A_364 = vector.extract_strided_slice %add3A_362 {offsets = [16, 0], sizes = [16, 512], strides = [1, 1]} : vector<32x512xi16> to vector<16x512xi16>
      %add3A_365 = arith.addi %slice3A_363, %slice3A_364 : vector<16x512xi16>
      %slice3A_366 = vector.extract_strided_slice %add3A_365 {offsets = [0, 0], sizes = [8, 512], strides = [1, 1]} : vector<16x512xi16> to vector<8x512xi16>
      %slice3A_367 = vector.extract_strided_slice %add3A_365 {offsets = [8, 0], sizes = [8, 512], strides = [1, 1]} : vector<16x512xi16> to vector<8x512xi16>
      %add3A_368 = arith.addi %slice3A_366, %slice3A_367 : vector<8x512xi16>
      %slice3A_369 = vector.extract_strided_slice %add3A_368 {offsets = [0, 0], sizes = [4, 512], strides = [1, 1]} : vector<8x512xi16> to vector<4x512xi16>
      %slice3A_370 = vector.extract_strided_slice %add3A_368 {offsets = [4, 0], sizes = [4, 512], strides = [1, 1]} : vector<8x512xi16> to vector<4x512xi16>
      %add3A_371 = arith.addi %slice3A_369, %slice3A_370 : vector<4x512xi16>
      %slice3A_372 = vector.extract_strided_slice %add3A_371 {offsets = [0, 0], sizes = [2, 512], strides = [1, 1]} : vector<4x512xi16> to vector<2x512xi16>
      %slice3A_373 = vector.extract_strided_slice %add3A_371 {offsets = [2, 0], sizes = [2, 512], strides = [1, 1]} : vector<4x512xi16> to vector<2x512xi16>
      %add3A_374 = arith.addi %slice3A_372, %slice3A_373 : vector<2x512xi16>
      %slice3A_375 = vector.extract_strided_slice %add3A_374 {offsets = [0, 0], sizes = [1, 512], strides = [1, 1]} : vector<2x512xi16> to vector<1x512xi16>
      %slice3A_376 = vector.extract_strided_slice %add3A_374 {offsets = [1, 0], sizes = [1, 512], strides = [1, 1]} : vector<2x512xi16> to vector<1x512xi16>
      %add3A_377 = arith.addi %slice3A_375, %slice3A_376 : vector<1x512xi16>
      %ge3A_378 = arith.constant 103 : i16
      %ge3A_379 = vector.broadcast %ge3A_378 : i16 to vector<1x512xi16>
      %ge3A_380 = arith.cmpi sge, %add3A_377, %ge3A_379 : vector<1x512xi16>
      %select_n3A_381 = arith.select %ge3A_380, %or3A_340, %select_n3A_337 : vector<1x512xi1>, vector<1x512xi16>
      %or3A_382 = arith.constant 64 : i16
      %or3A_383 = vector.broadcast %or3A_382 : i16 to vector<1x512xi16>
      %or3A_384 = arith.ori %select_n3A_381, %or3A_383 : vector<1x512xi16>
      %ge3A_385 = vector.broadcast %or3A_384 : vector<1x512xi16> to vector<1024x512xi16>
      %ge3A_386 = arith.cmpi sge, %convert_element_type3A_29, %ge3A_385 : vector<1024x512xi16>
      %jit3A_387 = arith.constant 1 : i16
      %jit3A_388 = arith.constant 0 : i16
      %broadcast_in_dim3A_389 = vector.broadcast %jit3A_387 : i16 to vector<1024x512xi16>
      %broadcast_in_dim3A_390 = vector.broadcast %jit3A_388 : i16 to vector<1024x512xi16>
      %select_n3A_391 = arith.select %ge3A_386, %broadcast_in_dim3A_389, %broadcast_in_dim3A_390 : vector<1024x512xi1>, vector<1024x512xi16>
      %slice3A_392 = vector.extract_strided_slice %select_n3A_391 {offsets = [0, 0], sizes = [512, 512], strides = [1, 1]} : vector<1024x512xi16> to vector<512x512xi16>
      %slice3A_393 = vector.extract_strided_slice %select_n3A_391 {offsets = [512, 0], sizes = [512, 512], strides = [1, 1]} : vector<1024x512xi16> to vector<512x512xi16>
      %add3A_394 = arith.addi %slice3A_392, %slice3A_393 : vector<512x512xi16>
      %slice3A_395 = vector.extract_strided_slice %add3A_394 {offsets = [0, 0], sizes = [256, 512], strides = [1, 1]} : vector<512x512xi16> to vector<256x512xi16>
      %slice3A_396 = vector.extract_strided_slice %add3A_394 {offsets = [256, 0], sizes = [256, 512], strides = [1, 1]} : vector<512x512xi16> to vector<256x512xi16>
      %add3A_397 = arith.addi %slice3A_395, %slice3A_396 : vector<256x512xi16>
      %slice3A_398 = vector.extract_strided_slice %add3A_397 {offsets = [0, 0], sizes = [128, 512], strides = [1, 1]} : vector<256x512xi16> to vector<128x512xi16>
      %slice3A_399 = vector.extract_strided_slice %add3A_397 {offsets = [128, 0], sizes = [128, 512], strides = [1, 1]} : vector<256x512xi16> to vector<128x512xi16>
      %add3A_400 = arith.addi %slice3A_398, %slice3A_399 : vector<128x512xi16>
      %slice3A_401 = vector.extract_strided_slice %add3A_400 {offsets = [0, 0], sizes = [64, 512], strides = [1, 1]} : vector<128x512xi16> to vector<64x512xi16>
      %slice3A_402 = vector.extract_strided_slice %add3A_400 {offsets = [64, 0], sizes = [64, 512], strides = [1, 1]} : vector<128x512xi16> to vector<64x512xi16>
      %add3A_403 = arith.addi %slice3A_401, %slice3A_402 : vector<64x512xi16>
      %slice3A_404 = vector.extract_strided_slice %add3A_403 {offsets = [0, 0], sizes = [32, 512], strides = [1, 1]} : vector<64x512xi16> to vector<32x512xi16>
      %slice3A_405 = vector.extract_strided_slice %add3A_403 {offsets = [32, 0], sizes = [32, 512], strides = [1, 1]} : vector<64x512xi16> to vector<32x512xi16>
      %add3A_406 = arith.addi %slice3A_404, %slice3A_405 : vector<32x512xi16>
      %slice3A_407 = vector.extract_strided_slice %add3A_406 {offsets = [0, 0], sizes = [16, 512], strides = [1, 1]} : vector<32x512xi16> to vector<16x512xi16>
      %slice3A_408 = vector.extract_strided_slice %add3A_406 {offsets = [16, 0], sizes = [16, 512], strides = [1, 1]} : vector<32x512xi16> to vector<16x512xi16>
      %add3A_409 = arith.addi %slice3A_407, %slice3A_408 : vector<16x512xi16>
      %slice3A_410 = vector.extract_strided_slice %add3A_409 {offsets = [0, 0], sizes = [8, 512], strides = [1, 1]} : vector<16x512xi16> to vector<8x512xi16>
      %slice3A_411 = vector.extract_strided_slice %add3A_409 {offsets = [8, 0], sizes = [8, 512], strides = [1, 1]} : vector<16x512xi16> to vector<8x512xi16>
      %add3A_412 = arith.addi %slice3A_410, %slice3A_411 : vector<8x512xi16>
      %slice3A_413 = vector.extract_strided_slice %add3A_412 {offsets = [0, 0], sizes = [4, 512], strides = [1, 1]} : vector<8x512xi16> to vector<4x512xi16>
      %slice3A_414 = vector.extract_strided_slice %add3A_412 {offsets = [4, 0], sizes = [4, 512], strides = [1, 1]} : vector<8x512xi16> to vector<4x512xi16>
      %add3A_415 = arith.addi %slice3A_413, %slice3A_414 : vector<4x512xi16>
      %slice3A_416 = vector.extract_strided_slice %add3A_415 {offsets = [0, 0], sizes = [2, 512], strides = [1, 1]} : vector<4x512xi16> to vector<2x512xi16>
      %slice3A_417 = vector.extract_strided_slice %add3A_415 {offsets = [2, 0], sizes = [2, 512], strides = [1, 1]} : vector<4x512xi16> to vector<2x512xi16>
      %add3A_418 = arith.addi %slice3A_416, %slice3A_417 : vector<2x512xi16>
      %slice3A_419 = vector.extract_strided_slice %add3A_418 {offsets = [0, 0], sizes = [1, 512], strides = [1, 1]} : vector<2x512xi16> to vector<1x512xi16>
      %slice3A_420 = vector.extract_strided_slice %add3A_418 {offsets = [1, 0], sizes = [1, 512], strides = [1, 1]} : vector<2x512xi16> to vector<1x512xi16>
      %add3A_421 = arith.addi %slice3A_419, %slice3A_420 : vector<1x512xi16>
      %ge3A_422 = arith.constant 103 : i16
      %ge3A_423 = vector.broadcast %ge3A_422 : i16 to vector<1x512xi16>
      %ge3A_424 = arith.cmpi sge, %add3A_421, %ge3A_423 : vector<1x512xi16>
      %select_n3A_425 = arith.select %ge3A_424, %or3A_384, %select_n3A_381 : vector<1x512xi1>, vector<1x512xi16>
      %or3A_426 = arith.constant 32 : i16
      %or3A_427 = vector.broadcast %or3A_426 : i16 to vector<1x512xi16>
      %or3A_428 = arith.ori %select_n3A_425, %or3A_427 : vector<1x512xi16>
      %ge3A_429 = vector.broadcast %or3A_428 : vector<1x512xi16> to vector<1024x512xi16>
      %ge3A_430 = arith.cmpi sge, %convert_element_type3A_29, %ge3A_429 : vector<1024x512xi16>
      %jit3A_431 = arith.constant 1 : i16
      %jit3A_432 = arith.constant 0 : i16
      %broadcast_in_dim3A_433 = vector.broadcast %jit3A_431 : i16 to vector<1024x512xi16>
      %broadcast_in_dim3A_434 = vector.broadcast %jit3A_432 : i16 to vector<1024x512xi16>
      %select_n3A_435 = arith.select %ge3A_430, %broadcast_in_dim3A_433, %broadcast_in_dim3A_434 : vector<1024x512xi1>, vector<1024x512xi16>
      %slice3A_436 = vector.extract_strided_slice %select_n3A_435 {offsets = [0, 0], sizes = [512, 512], strides = [1, 1]} : vector<1024x512xi16> to vector<512x512xi16>
      %slice3A_437 = vector.extract_strided_slice %select_n3A_435 {offsets = [512, 0], sizes = [512, 512], strides = [1, 1]} : vector<1024x512xi16> to vector<512x512xi16>
      %add3A_438 = arith.addi %slice3A_436, %slice3A_437 : vector<512x512xi16>
      %slice3A_439 = vector.extract_strided_slice %add3A_438 {offsets = [0, 0], sizes = [256, 512], strides = [1, 1]} : vector<512x512xi16> to vector<256x512xi16>
      %slice3A_440 = vector.extract_strided_slice %add3A_438 {offsets = [256, 0], sizes = [256, 512], strides = [1, 1]} : vector<512x512xi16> to vector<256x512xi16>
      %add3A_441 = arith.addi %slice3A_439, %slice3A_440 : vector<256x512xi16>
      %slice3A_442 = vector.extract_strided_slice %add3A_441 {offsets = [0, 0], sizes = [128, 512], strides = [1, 1]} : vector<256x512xi16> to vector<128x512xi16>
      %slice3A_443 = vector.extract_strided_slice %add3A_441 {offsets = [128, 0], sizes = [128, 512], strides = [1, 1]} : vector<256x512xi16> to vector<128x512xi16>
      %add3A_444 = arith.addi %slice3A_442, %slice3A_443 : vector<128x512xi16>
      %slice3A_445 = vector.extract_strided_slice %add3A_444 {offsets = [0, 0], sizes = [64, 512], strides = [1, 1]} : vector<128x512xi16> to vector<64x512xi16>
      %slice3A_446 = vector.extract_strided_slice %add3A_444 {offsets = [64, 0], sizes = [64, 512], strides = [1, 1]} : vector<128x512xi16> to vector<64x512xi16>
      %add3A_447 = arith.addi %slice3A_445, %slice3A_446 : vector<64x512xi16>
      %slice3A_448 = vector.extract_strided_slice %add3A_447 {offsets = [0, 0], sizes = [32, 512], strides = [1, 1]} : vector<64x512xi16> to vector<32x512xi16>
      %slice3A_449 = vector.extract_strided_slice %add3A_447 {offsets = [32, 0], sizes = [32, 512], strides = [1, 1]} : vector<64x512xi16> to vector<32x512xi16>
      %add3A_450 = arith.addi %slice3A_448, %slice3A_449 : vector<32x512xi16>
      %slice3A_451 = vector.extract_strided_slice %add3A_450 {offsets = [0, 0], sizes = [16, 512], strides = [1, 1]} : vector<32x512xi16> to vector<16x512xi16>
      %slice3A_452 = vector.extract_strided_slice %add3A_450 {offsets = [16, 0], sizes = [16, 512], strides = [1, 1]} : vector<32x512xi16> to vector<16x512xi16>
      %add3A_453 = arith.addi %slice3A_451, %slice3A_452 : vector<16x512xi16>
      %slice3A_454 = vector.extract_strided_slice %add3A_453 {offsets = [0, 0], sizes = [8, 512], strides = [1, 1]} : vector<16x512xi16> to vector<8x512xi16>
      %slice3A_455 = vector.extract_strided_slice %add3A_453 {offsets = [8, 0], sizes = [8, 512], strides = [1, 1]} : vector<16x512xi16> to vector<8x512xi16>
      %add3A_456 = arith.addi %slice3A_454, %slice3A_455 : vector<8x512xi16>
      %slice3A_457 = vector.extract_strided_slice %add3A_456 {offsets = [0, 0], sizes = [4, 512], strides = [1, 1]} : vector<8x512xi16> to vector<4x512xi16>
      %slice3A_458 = vector.extract_strided_slice %add3A_456 {offsets = [4, 0], sizes = [4, 512], strides = [1, 1]} : vector<8x512xi16> to vector<4x512xi16>
      %add3A_459 = arith.addi %slice3A_457, %slice3A_458 : vector<4x512xi16>
      %slice3A_460 = vector.extract_strided_slice %add3A_459 {offsets = [0, 0], sizes = [2, 512], strides = [1, 1]} : vector<4x512xi16> to vector<2x512xi16>
      %slice3A_461 = vector.extract_strided_slice %add3A_459 {offsets = [2, 0], sizes = [2, 512], strides = [1, 1]} : vector<4x512xi16> to vector<2x512xi16>
      %add3A_462 = arith.addi %slice3A_460, %slice3A_461 : vector<2x512xi16>
      %slice3A_463 = vector.extract_strided_slice %add3A_462 {offsets = [0, 0], sizes = [1, 512], strides = [1, 1]} : vector<2x512xi16> to vector<1x512xi16>
      %slice3A_464 = vector.extract_strided_slice %add3A_462 {offsets = [1, 0], sizes = [1, 512], strides = [1, 1]} : vector<2x512xi16> to vector<1x512xi16>
      %add3A_465 = arith.addi %slice3A_463, %slice3A_464 : vector<1x512xi16>
      %ge3A_466 = arith.constant 103 : i16
      %ge3A_467 = vector.broadcast %ge3A_466 : i16 to vector<1x512xi16>
      %ge3A_468 = arith.cmpi sge, %add3A_465, %ge3A_467 : vector<1x512xi16>
      %select_n3A_469 = arith.select %ge3A_468, %or3A_428, %select_n3A_425 : vector<1x512xi1>, vector<1x512xi16>
      %or3A_470 = arith.constant 16 : i16
      %or3A_471 = vector.broadcast %or3A_470 : i16 to vector<1x512xi16>
      %or3A_472 = arith.ori %select_n3A_469, %or3A_471 : vector<1x512xi16>
      %ge3A_473 = vector.broadcast %or3A_472 : vector<1x512xi16> to vector<1024x512xi16>
      %ge3A_474 = arith.cmpi sge, %convert_element_type3A_29, %ge3A_473 : vector<1024x512xi16>
      %jit3A_475 = arith.constant 1 : i16
      %jit3A_476 = arith.constant 0 : i16
      %broadcast_in_dim3A_477 = vector.broadcast %jit3A_475 : i16 to vector<1024x512xi16>
      %broadcast_in_dim3A_478 = vector.broadcast %jit3A_476 : i16 to vector<1024x512xi16>
      %select_n3A_479 = arith.select %ge3A_474, %broadcast_in_dim3A_477, %broadcast_in_dim3A_478 : vector<1024x512xi1>, vector<1024x512xi16>
      %slice3A_480 = vector.extract_strided_slice %select_n3A_479 {offsets = [0, 0], sizes = [512, 512], strides = [1, 1]} : vector<1024x512xi16> to vector<512x512xi16>
      %slice3A_481 = vector.extract_strided_slice %select_n3A_479 {offsets = [512, 0], sizes = [512, 512], strides = [1, 1]} : vector<1024x512xi16> to vector<512x512xi16>
      %add3A_482 = arith.addi %slice3A_480, %slice3A_481 : vector<512x512xi16>
      %slice3A_483 = vector.extract_strided_slice %add3A_482 {offsets = [0, 0], sizes = [256, 512], strides = [1, 1]} : vector<512x512xi16> to vector<256x512xi16>
      %slice3A_484 = vector.extract_strided_slice %add3A_482 {offsets = [256, 0], sizes = [256, 512], strides = [1, 1]} : vector<512x512xi16> to vector<256x512xi16>
      %add3A_485 = arith.addi %slice3A_483, %slice3A_484 : vector<256x512xi16>
      %slice3A_486 = vector.extract_strided_slice %add3A_485 {offsets = [0, 0], sizes = [128, 512], strides = [1, 1]} : vector<256x512xi16> to vector<128x512xi16>
      %slice3A_487 = vector.extract_strided_slice %add3A_485 {offsets = [128, 0], sizes = [128, 512], strides = [1, 1]} : vector<256x512xi16> to vector<128x512xi16>
      %add3A_488 = arith.addi %slice3A_486, %slice3A_487 : vector<128x512xi16>
      %slice3A_489 = vector.extract_strided_slice %add3A_488 {offsets = [0, 0], sizes = [64, 512], strides = [1, 1]} : vector<128x512xi16> to vector<64x512xi16>
      %slice3A_490 = vector.extract_strided_slice %add3A_488 {offsets = [64, 0], sizes = [64, 512], strides = [1, 1]} : vector<128x512xi16> to vector<64x512xi16>
      %add3A_491 = arith.addi %slice3A_489, %slice3A_490 : vector<64x512xi16>
      %slice3A_492 = vector.extract_strided_slice %add3A_491 {offsets = [0, 0], sizes = [32, 512], strides = [1, 1]} : vector<64x512xi16> to vector<32x512xi16>
      %slice3A_493 = vector.extract_strided_slice %add3A_491 {offsets = [32, 0], sizes = [32, 512], strides = [1, 1]} : vector<64x512xi16> to vector<32x512xi16>
      %add3A_494 = arith.addi %slice3A_492, %slice3A_493 : vector<32x512xi16>
      %slice3A_495 = vector.extract_strided_slice %add3A_494 {offsets = [0, 0], sizes = [16, 512], strides = [1, 1]} : vector<32x512xi16> to vector<16x512xi16>
      %slice3A_496 = vector.extract_strided_slice %add3A_494 {offsets = [16, 0], sizes = [16, 512], strides = [1, 1]} : vector<32x512xi16> to vector<16x512xi16>
      %add3A_497 = arith.addi %slice3A_495, %slice3A_496 : vector<16x512xi16>
      %slice3A_498 = vector.extract_strided_slice %add3A_497 {offsets = [0, 0], sizes = [8, 512], strides = [1, 1]} : vector<16x512xi16> to vector<8x512xi16>
      %slice3A_499 = vector.extract_strided_slice %add3A_497 {offsets = [8, 0], sizes = [8, 512], strides = [1, 1]} : vector<16x512xi16> to vector<8x512xi16>
      %add3A_500 = arith.addi %slice3A_498, %slice3A_499 : vector<8x512xi16>
      %slice3A_501 = vector.extract_strided_slice %add3A_500 {offsets = [0, 0], sizes = [4, 512], strides = [1, 1]} : vector<8x512xi16> to vector<4x512xi16>
      %slice3A_502 = vector.extract_strided_slice %add3A_500 {offsets = [4, 0], sizes = [4, 512], strides = [1, 1]} : vector<8x512xi16> to vector<4x512xi16>
      %add3A_503 = arith.addi %slice3A_501, %slice3A_502 : vector<4x512xi16>
      %slice3A_504 = vector.extract_strided_slice %add3A_503 {offsets = [0, 0], sizes = [2, 512], strides = [1, 1]} : vector<4x512xi16> to vector<2x512xi16>
      %slice3A_505 = vector.extract_strided_slice %add3A_503 {offsets = [2, 0], sizes = [2, 512], strides = [1, 1]} : vector<4x512xi16> to vector<2x512xi16>
      %add3A_506 = arith.addi %slice3A_504, %slice3A_505 : vector<2x512xi16>
      %slice3A_507 = vector.extract_strided_slice %add3A_506 {offsets = [0, 0], sizes = [1, 512], strides = [1, 1]} : vector<2x512xi16> to vector<1x512xi16>
      %slice3A_508 = vector.extract_strided_slice %add3A_506 {offsets = [1, 0], sizes = [1, 512], strides = [1, 1]} : vector<2x512xi16> to vector<1x512xi16>
      %add3A_509 = arith.addi %slice3A_507, %slice3A_508 : vector<1x512xi16>
      %ge3A_510 = arith.constant 103 : i16
      %ge3A_511 = vector.broadcast %ge3A_510 : i16 to vector<1x512xi16>
      %ge3A_512 = arith.cmpi sge, %add3A_509, %ge3A_511 : vector<1x512xi16>
      %select_n3A_513 = arith.select %ge3A_512, %or3A_472, %select_n3A_469 : vector<1x512xi1>, vector<1x512xi16>
      %or3A_514 = arith.constant 8 : i16
      %or3A_515 = vector.broadcast %or3A_514 : i16 to vector<1x512xi16>
      %or3A_516 = arith.ori %select_n3A_513, %or3A_515 : vector<1x512xi16>
      %ge3A_517 = vector.broadcast %or3A_516 : vector<1x512xi16> to vector<1024x512xi16>
      %ge3A_518 = arith.cmpi sge, %convert_element_type3A_29, %ge3A_517 : vector<1024x512xi16>
      %jit3A_519 = arith.constant 1 : i16
      %jit3A_520 = arith.constant 0 : i16
      %broadcast_in_dim3A_521 = vector.broadcast %jit3A_519 : i16 to vector<1024x512xi16>
      %broadcast_in_dim3A_522 = vector.broadcast %jit3A_520 : i16 to vector<1024x512xi16>
      %select_n3A_523 = arith.select %ge3A_518, %broadcast_in_dim3A_521, %broadcast_in_dim3A_522 : vector<1024x512xi1>, vector<1024x512xi16>
      %slice3A_524 = vector.extract_strided_slice %select_n3A_523 {offsets = [0, 0], sizes = [512, 512], strides = [1, 1]} : vector<1024x512xi16> to vector<512x512xi16>
      %slice3A_525 = vector.extract_strided_slice %select_n3A_523 {offsets = [512, 0], sizes = [512, 512], strides = [1, 1]} : vector<1024x512xi16> to vector<512x512xi16>
      %add3A_526 = arith.addi %slice3A_524, %slice3A_525 : vector<512x512xi16>
      %slice3A_527 = vector.extract_strided_slice %add3A_526 {offsets = [0, 0], sizes = [256, 512], strides = [1, 1]} : vector<512x512xi16> to vector<256x512xi16>
      %slice3A_528 = vector.extract_strided_slice %add3A_526 {offsets = [256, 0], sizes = [256, 512], strides = [1, 1]} : vector<512x512xi16> to vector<256x512xi16>
      %add3A_529 = arith.addi %slice3A_527, %slice3A_528 : vector<256x512xi16>
      %slice3A_530 = vector.extract_strided_slice %add3A_529 {offsets = [0, 0], sizes = [128, 512], strides = [1, 1]} : vector<256x512xi16> to vector<128x512xi16>
      %slice3A_531 = vector.extract_strided_slice %add3A_529 {offsets = [128, 0], sizes = [128, 512], strides = [1, 1]} : vector<256x512xi16> to vector<128x512xi16>
      %add3A_532 = arith.addi %slice3A_530, %slice3A_531 : vector<128x512xi16>
      %slice3A_533 = vector.extract_strided_slice %add3A_532 {offsets = [0, 0], sizes = [64, 512], strides = [1, 1]} : vector<128x512xi16> to vector<64x512xi16>
      %slice3A_534 = vector.extract_strided_slice %add3A_532 {offsets = [64, 0], sizes = [64, 512], strides = [1, 1]} : vector<128x512xi16> to vector<64x512xi16>
      %add3A_535 = arith.addi %slice3A_533, %slice3A_534 : vector<64x512xi16>
      %slice3A_536 = vector.extract_strided_slice %add3A_535 {offsets = [0, 0], sizes = [32, 512], strides = [1, 1]} : vector<64x512xi16> to vector<32x512xi16>
      %slice3A_537 = vector.extract_strided_slice %add3A_535 {offsets = [32, 0], sizes = [32, 512], strides = [1, 1]} : vector<64x512xi16> to vector<32x512xi16>
      %add3A_538 = arith.addi %slice3A_536, %slice3A_537 : vector<32x512xi16>
      %slice3A_539 = vector.extract_strided_slice %add3A_538 {offsets = [0, 0], sizes = [16, 512], strides = [1, 1]} : vector<32x512xi16> to vector<16x512xi16>
      %slice3A_540 = vector.extract_strided_slice %add3A_538 {offsets = [16, 0], sizes = [16, 512], strides = [1, 1]} : vector<32x512xi16> to vector<16x512xi16>
      %add3A_541 = arith.addi %slice3A_539, %slice3A_540 : vector<16x512xi16>
      %slice3A_542 = vector.extract_strided_slice %add3A_541 {offsets = [0, 0], sizes = [8, 512], strides = [1, 1]} : vector<16x512xi16> to vector<8x512xi16>
      %slice3A_543 = vector.extract_strided_slice %add3A_541 {offsets = [8, 0], sizes = [8, 512], strides = [1, 1]} : vector<16x512xi16> to vector<8x512xi16>
      %add3A_544 = arith.addi %slice3A_542, %slice3A_543 : vector<8x512xi16>
      %slice3A_545 = vector.extract_strided_slice %add3A_544 {offsets = [0, 0], sizes = [4, 512], strides = [1, 1]} : vector<8x512xi16> to vector<4x512xi16>
      %slice3A_546 = vector.extract_strided_slice %add3A_544 {offsets = [4, 0], sizes = [4, 512], strides = [1, 1]} : vector<8x512xi16> to vector<4x512xi16>
      %add3A_547 = arith.addi %slice3A_545, %slice3A_546 : vector<4x512xi16>
      %slice3A_548 = vector.extract_strided_slice %add3A_547 {offsets = [0, 0], sizes = [2, 512], strides = [1, 1]} : vector<4x512xi16> to vector<2x512xi16>
      %slice3A_549 = vector.extract_strided_slice %add3A_547 {offsets = [2, 0], sizes = [2, 512], strides = [1, 1]} : vector<4x512xi16> to vector<2x512xi16>
      %add3A_550 = arith.addi %slice3A_548, %slice3A_549 : vector<2x512xi16>
      %slice3A_551 = vector.extract_strided_slice %add3A_550 {offsets = [0, 0], sizes = [1, 512], strides = [1, 1]} : vector<2x512xi16> to vector<1x512xi16>
      %slice3A_552 = vector.extract_strided_slice %add3A_550 {offsets = [1, 0], sizes = [1, 512], strides = [1, 1]} : vector<2x512xi16> to vector<1x512xi16>
      %add3A_553 = arith.addi %slice3A_551, %slice3A_552 : vector<1x512xi16>
      %ge3A_554 = arith.constant 103 : i16
      %ge3A_555 = vector.broadcast %ge3A_554 : i16 to vector<1x512xi16>
      %ge3A_556 = arith.cmpi sge, %add3A_553, %ge3A_555 : vector<1x512xi16>
      %select_n3A_557 = arith.select %ge3A_556, %or3A_516, %select_n3A_513 : vector<1x512xi1>, vector<1x512xi16>
      %or3A_558 = arith.constant 4 : i16
      %or3A_559 = vector.broadcast %or3A_558 : i16 to vector<1x512xi16>
      %or3A_560 = arith.ori %select_n3A_557, %or3A_559 : vector<1x512xi16>
      %ge3A_561 = vector.broadcast %or3A_560 : vector<1x512xi16> to vector<1024x512xi16>
      %ge3A_562 = arith.cmpi sge, %convert_element_type3A_29, %ge3A_561 : vector<1024x512xi16>
      %jit3A_563 = arith.constant 1 : i16
      %jit3A_564 = arith.constant 0 : i16
      %broadcast_in_dim3A_565 = vector.broadcast %jit3A_563 : i16 to vector<1024x512xi16>
      %broadcast_in_dim3A_566 = vector.broadcast %jit3A_564 : i16 to vector<1024x512xi16>
      %select_n3A_567 = arith.select %ge3A_562, %broadcast_in_dim3A_565, %broadcast_in_dim3A_566 : vector<1024x512xi1>, vector<1024x512xi16>
      %slice3A_568 = vector.extract_strided_slice %select_n3A_567 {offsets = [0, 0], sizes = [512, 512], strides = [1, 1]} : vector<1024x512xi16> to vector<512x512xi16>
      %slice3A_569 = vector.extract_strided_slice %select_n3A_567 {offsets = [512, 0], sizes = [512, 512], strides = [1, 1]} : vector<1024x512xi16> to vector<512x512xi16>
      %add3A_570 = arith.addi %slice3A_568, %slice3A_569 : vector<512x512xi16>
      %slice3A_571 = vector.extract_strided_slice %add3A_570 {offsets = [0, 0], sizes = [256, 512], strides = [1, 1]} : vector<512x512xi16> to vector<256x512xi16>
      %slice3A_572 = vector.extract_strided_slice %add3A_570 {offsets = [256, 0], sizes = [256, 512], strides = [1, 1]} : vector<512x512xi16> to vector<256x512xi16>
      %add3A_573 = arith.addi %slice3A_571, %slice3A_572 : vector<256x512xi16>
      %slice3A_574 = vector.extract_strided_slice %add3A_573 {offsets = [0, 0], sizes = [128, 512], strides = [1, 1]} : vector<256x512xi16> to vector<128x512xi16>
      %slice3A_575 = vector.extract_strided_slice %add3A_573 {offsets = [128, 0], sizes = [128, 512], strides = [1, 1]} : vector<256x512xi16> to vector<128x512xi16>
      %add3A_576 = arith.addi %slice3A_574, %slice3A_575 : vector<128x512xi16>
      %slice3A_577 = vector.extract_strided_slice %add3A_576 {offsets = [0, 0], sizes = [64, 512], strides = [1, 1]} : vector<128x512xi16> to vector<64x512xi16>
      %slice3A_578 = vector.extract_strided_slice %add3A_576 {offsets = [64, 0], sizes = [64, 512], strides = [1, 1]} : vector<128x512xi16> to vector<64x512xi16>
      %add3A_579 = arith.addi %slice3A_577, %slice3A_578 : vector<64x512xi16>
      %slice3A_580 = vector.extract_strided_slice %add3A_579 {offsets = [0, 0], sizes = [32, 512], strides = [1, 1]} : vector<64x512xi16> to vector<32x512xi16>
      %slice3A_581 = vector.extract_strided_slice %add3A_579 {offsets = [32, 0], sizes = [32, 512], strides = [1, 1]} : vector<64x512xi16> to vector<32x512xi16>
      %add3A_582 = arith.addi %slice3A_580, %slice3A_581 : vector<32x512xi16>
      %slice3A_583 = vector.extract_strided_slice %add3A_582 {offsets = [0, 0], sizes = [16, 512], strides = [1, 1]} : vector<32x512xi16> to vector<16x512xi16>
      %slice3A_584 = vector.extract_strided_slice %add3A_582 {offsets = [16, 0], sizes = [16, 512], strides = [1, 1]} : vector<32x512xi16> to vector<16x512xi16>
      %add3A_585 = arith.addi %slice3A_583, %slice3A_584 : vector<16x512xi16>
      %slice3A_586 = vector.extract_strided_slice %add3A_585 {offsets = [0, 0], sizes = [8, 512], strides = [1, 1]} : vector<16x512xi16> to vector<8x512xi16>
      %slice3A_587 = vector.extract_strided_slice %add3A_585 {offsets = [8, 0], sizes = [8, 512], strides = [1, 1]} : vector<16x512xi16> to vector<8x512xi16>
      %add3A_588 = arith.addi %slice3A_586, %slice3A_587 : vector<8x512xi16>
      %slice3A_589 = vector.extract_strided_slice %add3A_588 {offsets = [0, 0], sizes = [4, 512], strides = [1, 1]} : vector<8x512xi16> to vector<4x512xi16>
      %slice3A_590 = vector.extract_strided_slice %add3A_588 {offsets = [4, 0], sizes = [4, 512], strides = [1, 1]} : vector<8x512xi16> to vector<4x512xi16>
      %add3A_591 = arith.addi %slice3A_589, %slice3A_590 : vector<4x512xi16>
      %slice3A_592 = vector.extract_strided_slice %add3A_591 {offsets = [0, 0], sizes = [2, 512], strides = [1, 1]} : vector<4x512xi16> to vector<2x512xi16>
      %slice3A_593 = vector.extract_strided_slice %add3A_591 {offsets = [2, 0], sizes = [2, 512], strides = [1, 1]} : vector<4x512xi16> to vector<2x512xi16>
      %add3A_594 = arith.addi %slice3A_592, %slice3A_593 : vector<2x512xi16>
      %slice3A_595 = vector.extract_strided_slice %add3A_594 {offsets = [0, 0], sizes = [1, 512], strides = [1, 1]} : vector<2x512xi16> to vector<1x512xi16>
      %slice3A_596 = vector.extract_strided_slice %add3A_594 {offsets = [1, 0], sizes = [1, 512], strides = [1, 1]} : vector<2x512xi16> to vector<1x512xi16>
      %add3A_597 = arith.addi %slice3A_595, %slice3A_596 : vector<1x512xi16>
      %ge3A_598 = arith.constant 103 : i16
      %ge3A_599 = vector.broadcast %ge3A_598 : i16 to vector<1x512xi16>
      %ge3A_600 = arith.cmpi sge, %add3A_597, %ge3A_599 : vector<1x512xi16>
      %select_n3A_601 = arith.select %ge3A_600, %or3A_560, %select_n3A_557 : vector<1x512xi1>, vector<1x512xi16>
      %or3A_602 = arith.constant 2 : i16
      %or3A_603 = vector.broadcast %or3A_602 : i16 to vector<1x512xi16>
      %or3A_604 = arith.ori %select_n3A_601, %or3A_603 : vector<1x512xi16>
      %ge3A_605 = vector.broadcast %or3A_604 : vector<1x512xi16> to vector<1024x512xi16>
      %ge3A_606 = arith.cmpi sge, %convert_element_type3A_29, %ge3A_605 : vector<1024x512xi16>
      %jit3A_607 = arith.constant 1 : i16
      %jit3A_608 = arith.constant 0 : i16
      %broadcast_in_dim3A_609 = vector.broadcast %jit3A_607 : i16 to vector<1024x512xi16>
      %broadcast_in_dim3A_610 = vector.broadcast %jit3A_608 : i16 to vector<1024x512xi16>
      %select_n3A_611 = arith.select %ge3A_606, %broadcast_in_dim3A_609, %broadcast_in_dim3A_610 : vector<1024x512xi1>, vector<1024x512xi16>
      %slice3A_612 = vector.extract_strided_slice %select_n3A_611 {offsets = [0, 0], sizes = [512, 512], strides = [1, 1]} : vector<1024x512xi16> to vector<512x512xi16>
      %slice3A_613 = vector.extract_strided_slice %select_n3A_611 {offsets = [512, 0], sizes = [512, 512], strides = [1, 1]} : vector<1024x512xi16> to vector<512x512xi16>
      %add3A_614 = arith.addi %slice3A_612, %slice3A_613 : vector<512x512xi16>
      %slice3A_615 = vector.extract_strided_slice %add3A_614 {offsets = [0, 0], sizes = [256, 512], strides = [1, 1]} : vector<512x512xi16> to vector<256x512xi16>
      %slice3A_616 = vector.extract_strided_slice %add3A_614 {offsets = [256, 0], sizes = [256, 512], strides = [1, 1]} : vector<512x512xi16> to vector<256x512xi16>
      %add3A_617 = arith.addi %slice3A_615, %slice3A_616 : vector<256x512xi16>
      %slice3A_618 = vector.extract_strided_slice %add3A_617 {offsets = [0, 0], sizes = [128, 512], strides = [1, 1]} : vector<256x512xi16> to vector<128x512xi16>
      %slice3A_619 = vector.extract_strided_slice %add3A_617 {offsets = [128, 0], sizes = [128, 512], strides = [1, 1]} : vector<256x512xi16> to vector<128x512xi16>
      %add3A_620 = arith.addi %slice3A_618, %slice3A_619 : vector<128x512xi16>
      %slice3A_621 = vector.extract_strided_slice %add3A_620 {offsets = [0, 0], sizes = [64, 512], strides = [1, 1]} : vector<128x512xi16> to vector<64x512xi16>
      %slice3A_622 = vector.extract_strided_slice %add3A_620 {offsets = [64, 0], sizes = [64, 512], strides = [1, 1]} : vector<128x512xi16> to vector<64x512xi16>
      %add3A_623 = arith.addi %slice3A_621, %slice3A_622 : vector<64x512xi16>
      %slice3A_624 = vector.extract_strided_slice %add3A_623 {offsets = [0, 0], sizes = [32, 512], strides = [1, 1]} : vector<64x512xi16> to vector<32x512xi16>
      %slice3A_625 = vector.extract_strided_slice %add3A_623 {offsets = [32, 0], sizes = [32, 512], strides = [1, 1]} : vector<64x512xi16> to vector<32x512xi16>
      %add3A_626 = arith.addi %slice3A_624, %slice3A_625 : vector<32x512xi16>
      %slice3A_627 = vector.extract_strided_slice %add3A_626 {offsets = [0, 0], sizes = [16, 512], strides = [1, 1]} : vector<32x512xi16> to vector<16x512xi16>
      %slice3A_628 = vector.extract_strided_slice %add3A_626 {offsets = [16, 0], sizes = [16, 512], strides = [1, 1]} : vector<32x512xi16> to vector<16x512xi16>
      %add3A_629 = arith.addi %slice3A_627, %slice3A_628 : vector<16x512xi16>
      %slice3A_630 = vector.extract_strided_slice %add3A_629 {offsets = [0, 0], sizes = [8, 512], strides = [1, 1]} : vector<16x512xi16> to vector<8x512xi16>
      %slice3A_631 = vector.extract_strided_slice %add3A_629 {offsets = [8, 0], sizes = [8, 512], strides = [1, 1]} : vector<16x512xi16> to vector<8x512xi16>
      %add3A_632 = arith.addi %slice3A_630, %slice3A_631 : vector<8x512xi16>
      %slice3A_633 = vector.extract_strided_slice %add3A_632 {offsets = [0, 0], sizes = [4, 512], strides = [1, 1]} : vector<8x512xi16> to vector<4x512xi16>
      %slice3A_634 = vector.extract_strided_slice %add3A_632 {offsets = [4, 0], sizes = [4, 512], strides = [1, 1]} : vector<8x512xi16> to vector<4x512xi16>
      %add3A_635 = arith.addi %slice3A_633, %slice3A_634 : vector<4x512xi16>
      %slice3A_636 = vector.extract_strided_slice %add3A_635 {offsets = [0, 0], sizes = [2, 512], strides = [1, 1]} : vector<4x512xi16> to vector<2x512xi16>
      %slice3A_637 = vector.extract_strided_slice %add3A_635 {offsets = [2, 0], sizes = [2, 512], strides = [1, 1]} : vector<4x512xi16> to vector<2x512xi16>
      %add3A_638 = arith.addi %slice3A_636, %slice3A_637 : vector<2x512xi16>
      %slice3A_639 = vector.extract_strided_slice %add3A_638 {offsets = [0, 0], sizes = [1, 512], strides = [1, 1]} : vector<2x512xi16> to vector<1x512xi16>
      %slice3A_640 = vector.extract_strided_slice %add3A_638 {offsets = [1, 0], sizes = [1, 512], strides = [1, 1]} : vector<2x512xi16> to vector<1x512xi16>
      %add3A_641 = arith.addi %slice3A_639, %slice3A_640 : vector<1x512xi16>
      %ge3A_642 = arith.constant 103 : i16
      %ge3A_643 = vector.broadcast %ge3A_642 : i16 to vector<1x512xi16>
      %ge3A_644 = arith.cmpi sge, %add3A_641, %ge3A_643 : vector<1x512xi16>
      %select_n3A_645 = arith.select %ge3A_644, %or3A_604, %select_n3A_601 : vector<1x512xi1>, vector<1x512xi16>
      %or3A_646 = arith.constant 1 : i16
      %or3A_647 = vector.broadcast %or3A_646 : i16 to vector<1x512xi16>
      %or3A_648 = arith.ori %select_n3A_645, %or3A_647 : vector<1x512xi16>
      %ge3A_649 = vector.broadcast %or3A_648 : vector<1x512xi16> to vector<1024x512xi16>
      %ge3A_650 = arith.cmpi sge, %convert_element_type3A_29, %ge3A_649 : vector<1024x512xi16>
      %jit3A_651 = arith.constant 1 : i16
      %jit3A_652 = arith.constant 0 : i16
      %broadcast_in_dim3A_653 = vector.broadcast %jit3A_651 : i16 to vector<1024x512xi16>
      %broadcast_in_dim3A_654 = vector.broadcast %jit3A_652 : i16 to vector<1024x512xi16>
      %select_n3A_655 = arith.select %ge3A_650, %broadcast_in_dim3A_653, %broadcast_in_dim3A_654 : vector<1024x512xi1>, vector<1024x512xi16>
      %slice3A_656 = vector.extract_strided_slice %select_n3A_655 {offsets = [0, 0], sizes = [512, 512], strides = [1, 1]} : vector<1024x512xi16> to vector<512x512xi16>
      %slice3A_657 = vector.extract_strided_slice %select_n3A_655 {offsets = [512, 0], sizes = [512, 512], strides = [1, 1]} : vector<1024x512xi16> to vector<512x512xi16>
      %add3A_658 = arith.addi %slice3A_656, %slice3A_657 : vector<512x512xi16>
      %slice3A_659 = vector.extract_strided_slice %add3A_658 {offsets = [0, 0], sizes = [256, 512], strides = [1, 1]} : vector<512x512xi16> to vector<256x512xi16>
      %slice3A_660 = vector.extract_strided_slice %add3A_658 {offsets = [256, 0], sizes = [256, 512], strides = [1, 1]} : vector<512x512xi16> to vector<256x512xi16>
      %add3A_661 = arith.addi %slice3A_659, %slice3A_660 : vector<256x512xi16>
      %slice3A_662 = vector.extract_strided_slice %add3A_661 {offsets = [0, 0], sizes = [128, 512], strides = [1, 1]} : vector<256x512xi16> to vector<128x512xi16>
      %slice3A_663 = vector.extract_strided_slice %add3A_661 {offsets = [128, 0], sizes = [128, 512], strides = [1, 1]} : vector<256x512xi16> to vector<128x512xi16>
      %add3A_664 = arith.addi %slice3A_662, %slice3A_663 : vector<128x512xi16>
      %slice3A_665 = vector.extract_strided_slice %add3A_664 {offsets = [0, 0], sizes = [64, 512], strides = [1, 1]} : vector<128x512xi16> to vector<64x512xi16>
      %slice3A_666 = vector.extract_strided_slice %add3A_664 {offsets = [64, 0], sizes = [64, 512], strides = [1, 1]} : vector<128x512xi16> to vector<64x512xi16>
      %add3A_667 = arith.addi %slice3A_665, %slice3A_666 : vector<64x512xi16>
      %slice3A_668 = vector.extract_strided_slice %add3A_667 {offsets = [0, 0], sizes = [32, 512], strides = [1, 1]} : vector<64x512xi16> to vector<32x512xi16>
      %slice3A_669 = vector.extract_strided_slice %add3A_667 {offsets = [32, 0], sizes = [32, 512], strides = [1, 1]} : vector<64x512xi16> to vector<32x512xi16>
      %add3A_670 = arith.addi %slice3A_668, %slice3A_669 : vector<32x512xi16>
      %slice3A_671 = vector.extract_strided_slice %add3A_670 {offsets = [0, 0], sizes = [16, 512], strides = [1, 1]} : vector<32x512xi16> to vector<16x512xi16>
      %slice3A_672 = vector.extract_strided_slice %add3A_670 {offsets = [16, 0], sizes = [16, 512], strides = [1, 1]} : vector<32x512xi16> to vector<16x512xi16>
      %add3A_673 = arith.addi %slice3A_671, %slice3A_672 : vector<16x512xi16>
      %slice3A_674 = vector.extract_strided_slice %add3A_673 {offsets = [0, 0], sizes = [8, 512], strides = [1, 1]} : vector<16x512xi16> to vector<8x512xi16>
      %slice3A_675 = vector.extract_strided_slice %add3A_673 {offsets = [8, 0], sizes = [8, 512], strides = [1, 1]} : vector<16x512xi16> to vector<8x512xi16>
      %add3A_676 = arith.addi %slice3A_674, %slice3A_675 : vector<8x512xi16>
      %slice3A_677 = vector.extract_strided_slice %add3A_676 {offsets = [0, 0], sizes = [4, 512], strides = [1, 1]} : vector<8x512xi16> to vector<4x512xi16>
      %slice3A_678 = vector.extract_strided_slice %add3A_676 {offsets = [4, 0], sizes = [4, 512], strides = [1, 1]} : vector<8x512xi16> to vector<4x512xi16>
      %add3A_679 = arith.addi %slice3A_677, %slice3A_678 : vector<4x512xi16>
      %slice3A_680 = vector.extract_strided_slice %add3A_679 {offsets = [0, 0], sizes = [2, 512], strides = [1, 1]} : vector<4x512xi16> to vector<2x512xi16>
      %slice3A_681 = vector.extract_strided_slice %add3A_679 {offsets = [2, 0], sizes = [2, 512], strides = [1, 1]} : vector<4x512xi16> to vector<2x512xi16>
      %add3A_682 = arith.addi %slice3A_680, %slice3A_681 : vector<2x512xi16>
      %slice3A_683 = vector.extract_strided_slice %add3A_682 {offsets = [0, 0], sizes = [1, 512], strides = [1, 1]} : vector<2x512xi16> to vector<1x512xi16>
      %slice3A_684 = vector.extract_strided_slice %add3A_682 {offsets = [1, 0], sizes = [1, 512], strides = [1, 1]} : vector<2x512xi16> to vector<1x512xi16>
      %add3A_685 = arith.addi %slice3A_683, %slice3A_684 : vector<1x512xi16>
      %ge3A_686 = arith.constant 103 : i16
      %ge3A_687 = vector.broadcast %ge3A_686 : i16 to vector<1x512xi16>
      %ge3A_688 = arith.cmpi sge, %add3A_685, %ge3A_687 : vector<1x512xi16>
      %select_n3A_689 = arith.select %ge3A_688, %or3A_648, %select_n3A_645 : vector<1x512xi1>, vector<1x512xi16>
      %eq3A_690 = vector.broadcast %select_n3A_689 : vector<1x512xi16> to vector<1024x512xi16>
      %eq3A_691 = arith.cmpi eq, %convert_element_type3A_29, %eq3A_690 : vector<1024x512xi16>
      %gt3A = vector.broadcast %select_n3A_689 : vector<1x512xi16> to vector<1024x512xi16>
      %gt3A_692 = arith.cmpi sgt, %convert_element_type3A_29, %gt3A : vector<1024x512xi16>
      %jit3A_693 = arith.constant 1 : i16
      %jit3A_694 = arith.constant 0 : i16
      %broadcast_in_dim3A_695 = vector.broadcast %jit3A_693 : i16 to vector<1024x512xi16>
      %broadcast_in_dim3A_696 = vector.broadcast %jit3A_694 : i16 to vector<1024x512xi16>
      %select_n3A_697 = arith.select %gt3A_692, %broadcast_in_dim3A_695, %broadcast_in_dim3A_696 : vector<1024x512xi1>, vector<1024x512xi16>
      %slice3A_698 = vector.extract_strided_slice %select_n3A_697 {offsets = [0, 0], sizes = [512, 512], strides = [1, 1]} : vector<1024x512xi16> to vector<512x512xi16>
      %slice3A_699 = vector.extract_strided_slice %select_n3A_697 {offsets = [512, 0], sizes = [512, 512], strides = [1, 1]} : vector<1024x512xi16> to vector<512x512xi16>
      %add3A_700 = arith.addi %slice3A_698, %slice3A_699 : vector<512x512xi16>
      %slice3A_701 = vector.extract_strided_slice %add3A_700 {offsets = [0, 0], sizes = [256, 512], strides = [1, 1]} : vector<512x512xi16> to vector<256x512xi16>
      %slice3A_702 = vector.extract_strided_slice %add3A_700 {offsets = [256, 0], sizes = [256, 512], strides = [1, 1]} : vector<512x512xi16> to vector<256x512xi16>
      %add3A_703 = arith.addi %slice3A_701, %slice3A_702 : vector<256x512xi16>
      %slice3A_704 = vector.extract_strided_slice %add3A_703 {offsets = [0, 0], sizes = [128, 512], strides = [1, 1]} : vector<256x512xi16> to vector<128x512xi16>
      %slice3A_705 = vector.extract_strided_slice %add3A_703 {offsets = [128, 0], sizes = [128, 512], strides = [1, 1]} : vector<256x512xi16> to vector<128x512xi16>
      %add3A_706 = arith.addi %slice3A_704, %slice3A_705 : vector<128x512xi16>
      %slice3A_707 = vector.extract_strided_slice %add3A_706 {offsets = [0, 0], sizes = [64, 512], strides = [1, 1]} : vector<128x512xi16> to vector<64x512xi16>
      %slice3A_708 = vector.extract_strided_slice %add3A_706 {offsets = [64, 0], sizes = [64, 512], strides = [1, 1]} : vector<128x512xi16> to vector<64x512xi16>
      %add3A_709 = arith.addi %slice3A_707, %slice3A_708 : vector<64x512xi16>
      %slice3A_710 = vector.extract_strided_slice %add3A_709 {offsets = [0, 0], sizes = [32, 512], strides = [1, 1]} : vector<64x512xi16> to vector<32x512xi16>
      %slice3A_711 = vector.extract_strided_slice %add3A_709 {offsets = [32, 0], sizes = [32, 512], strides = [1, 1]} : vector<64x512xi16> to vector<32x512xi16>
      %add3A_712 = arith.addi %slice3A_710, %slice3A_711 : vector<32x512xi16>
      %slice3A_713 = vector.extract_strided_slice %add3A_712 {offsets = [0, 0], sizes = [16, 512], strides = [1, 1]} : vector<32x512xi16> to vector<16x512xi16>
      %slice3A_714 = vector.extract_strided_slice %add3A_712 {offsets = [16, 0], sizes = [16, 512], strides = [1, 1]} : vector<32x512xi16> to vector<16x512xi16>
      %add3A_715 = arith.addi %slice3A_713, %slice3A_714 : vector<16x512xi16>
      %slice3A_716 = vector.extract_strided_slice %add3A_715 {offsets = [0, 0], sizes = [8, 512], strides = [1, 1]} : vector<16x512xi16> to vector<8x512xi16>
      %slice3A_717 = vector.extract_strided_slice %add3A_715 {offsets = [8, 0], sizes = [8, 512], strides = [1, 1]} : vector<16x512xi16> to vector<8x512xi16>
      %add3A_718 = arith.addi %slice3A_716, %slice3A_717 : vector<8x512xi16>
      %slice3A_719 = vector.extract_strided_slice %add3A_718 {offsets = [0, 0], sizes = [4, 512], strides = [1, 1]} : vector<8x512xi16> to vector<4x512xi16>
      %slice3A_720 = vector.extract_strided_slice %add3A_718 {offsets = [4, 0], sizes = [4, 512], strides = [1, 1]} : vector<8x512xi16> to vector<4x512xi16>
      %add3A_721 = arith.addi %slice3A_719, %slice3A_720 : vector<4x512xi16>
      %slice3A_722 = vector.extract_strided_slice %add3A_721 {offsets = [0, 0], sizes = [2, 512], strides = [1, 1]} : vector<4x512xi16> to vector<2x512xi16>
      %slice3A_723 = vector.extract_strided_slice %add3A_721 {offsets = [2, 0], sizes = [2, 512], strides = [1, 1]} : vector<4x512xi16> to vector<2x512xi16>
      %add3A_724 = arith.addi %slice3A_722, %slice3A_723 : vector<2x512xi16>
      %slice3A_725 = vector.extract_strided_slice %add3A_724 {offsets = [0, 0], sizes = [1, 512], strides = [1, 1]} : vector<2x512xi16> to vector<1x512xi16>
      %slice3A_726 = vector.extract_strided_slice %add3A_724 {offsets = [1, 0], sizes = [1, 512], strides = [1, 1]} : vector<2x512xi16> to vector<1x512xi16>
      %add3A_727 = arith.addi %slice3A_725, %slice3A_726 : vector<1x512xi16>
      %sub3A = arith.constant 103 : i16
      %sub3A_728 = vector.broadcast %sub3A : i16 to vector<1x512xi16>
      %sub3A_729 = arith.subi %sub3A_728, %add3A_727 : vector<1x512xi16>
      %broadcast_in_dim3A_730 = arith.constant -32768 : i16
      %broadcast_in_dim3A_731 = vector.broadcast %broadcast_in_dim3A_730 : i16 to vector<1x512xi16>
      %and3A_732 = arith.constant 32767 : i16
      %and3A_733 = vector.broadcast %and3A_732 : i16 to vector<1x512xi16>
      %and3A_734 = arith.andi %broadcast_in_dim3A_731, %and3A_733 : vector<1x512xi16>
      %ge3A_735 = vector.broadcast %and3A_734 : vector<1x512xi16> to vector<1024x512xi16>
      %ge3A_736 = arith.cmpi sge, %convert_element_type3A_32, %ge3A_735 : vector<1024x512xi16>
      %and3A_737 = arith.andi %eq3A_691, %ge3A_736 : vector<1024x512xi1>
      %jit3A_738 = arith.constant 1 : i16
      %jit3A_739 = arith.constant 0 : i16
      %broadcast_in_dim3A_740 = vector.broadcast %jit3A_738 : i16 to vector<1024x512xi16>
      %broadcast_in_dim3A_741 = vector.broadcast %jit3A_739 : i16 to vector<1024x512xi16>
      %select_n3A_742 = arith.select %and3A_737, %broadcast_in_dim3A_740, %broadcast_in_dim3A_741 : vector<1024x512xi1>, vector<1024x512xi16>
      %slice3A_743 = vector.extract_strided_slice %select_n3A_742 {offsets = [0, 0], sizes = [512, 512], strides = [1, 1]} : vector<1024x512xi16> to vector<512x512xi16>
      %slice3A_744 = vector.extract_strided_slice %select_n3A_742 {offsets = [512, 0], sizes = [512, 512], strides = [1, 1]} : vector<1024x512xi16> to vector<512x512xi16>
      %add3A_745 = arith.addi %slice3A_743, %slice3A_744 : vector<512x512xi16>
      %slice3A_746 = vector.extract_strided_slice %add3A_745 {offsets = [0, 0], sizes = [256, 512], strides = [1, 1]} : vector<512x512xi16> to vector<256x512xi16>
      %slice3A_747 = vector.extract_strided_slice %add3A_745 {offsets = [256, 0], sizes = [256, 512], strides = [1, 1]} : vector<512x512xi16> to vector<256x512xi16>
      %add3A_748 = arith.addi %slice3A_746, %slice3A_747 : vector<256x512xi16>
      %slice3A_749 = vector.extract_strided_slice %add3A_748 {offsets = [0, 0], sizes = [128, 512], strides = [1, 1]} : vector<256x512xi16> to vector<128x512xi16>
      %slice3A_750 = vector.extract_strided_slice %add3A_748 {offsets = [128, 0], sizes = [128, 512], strides = [1, 1]} : vector<256x512xi16> to vector<128x512xi16>
      %add3A_751 = arith.addi %slice3A_749, %slice3A_750 : vector<128x512xi16>
      %slice3A_752 = vector.extract_strided_slice %add3A_751 {offsets = [0, 0], sizes = [64, 512], strides = [1, 1]} : vector<128x512xi16> to vector<64x512xi16>
      %slice3A_753 = vector.extract_strided_slice %add3A_751 {offsets = [64, 0], sizes = [64, 512], strides = [1, 1]} : vector<128x512xi16> to vector<64x512xi16>
      %add3A_754 = arith.addi %slice3A_752, %slice3A_753 : vector<64x512xi16>
      %slice3A_755 = vector.extract_strided_slice %add3A_754 {offsets = [0, 0], sizes = [32, 512], strides = [1, 1]} : vector<64x512xi16> to vector<32x512xi16>
      %slice3A_756 = vector.extract_strided_slice %add3A_754 {offsets = [32, 0], sizes = [32, 512], strides = [1, 1]} : vector<64x512xi16> to vector<32x512xi16>
      %add3A_757 = arith.addi %slice3A_755, %slice3A_756 : vector<32x512xi16>
      %slice3A_758 = vector.extract_strided_slice %add3A_757 {offsets = [0, 0], sizes = [16, 512], strides = [1, 1]} : vector<32x512xi16> to vector<16x512xi16>
      %slice3A_759 = vector.extract_strided_slice %add3A_757 {offsets = [16, 0], sizes = [16, 512], strides = [1, 1]} : vector<32x512xi16> to vector<16x512xi16>
      %add3A_760 = arith.addi %slice3A_758, %slice3A_759 : vector<16x512xi16>
      %slice3A_761 = vector.extract_strided_slice %add3A_760 {offsets = [0, 0], sizes = [8, 512], strides = [1, 1]} : vector<16x512xi16> to vector<8x512xi16>
      %slice3A_762 = vector.extract_strided_slice %add3A_760 {offsets = [8, 0], sizes = [8, 512], strides = [1, 1]} : vector<16x512xi16> to vector<8x512xi16>
      %add3A_763 = arith.addi %slice3A_761, %slice3A_762 : vector<8x512xi16>
      %slice3A_764 = vector.extract_strided_slice %add3A_763 {offsets = [0, 0], sizes = [4, 512], strides = [1, 1]} : vector<8x512xi16> to vector<4x512xi16>
      %slice3A_765 = vector.extract_strided_slice %add3A_763 {offsets = [4, 0], sizes = [4, 512], strides = [1, 1]} : vector<8x512xi16> to vector<4x512xi16>
      %add3A_766 = arith.addi %slice3A_764, %slice3A_765 : vector<4x512xi16>
      %slice3A_767 = vector.extract_strided_slice %add3A_766 {offsets = [0, 0], sizes = [2, 512], strides = [1, 1]} : vector<4x512xi16> to vector<2x512xi16>
      %slice3A_768 = vector.extract_strided_slice %add3A_766 {offsets = [2, 0], sizes = [2, 512], strides = [1, 1]} : vector<4x512xi16> to vector<2x512xi16>
      %add3A_769 = arith.addi %slice3A_767, %slice3A_768 : vector<2x512xi16>
      %slice3A_770 = vector.extract_strided_slice %add3A_769 {offsets = [0, 0], sizes = [1, 512], strides = [1, 1]} : vector<2x512xi16> to vector<1x512xi16>
      %slice3A_771 = vector.extract_strided_slice %add3A_769 {offsets = [1, 0], sizes = [1, 512], strides = [1, 1]} : vector<2x512xi16> to vector<1x512xi16>
      %add3A_772 = arith.addi %slice3A_770, %slice3A_771 : vector<1x512xi16>
      %ge3A_773 = arith.cmpi sge, %add3A_772, %sub3A_729 : vector<1x512xi16>
      %select_n3A_774 = arith.select %ge3A_773, %and3A_734, %broadcast_in_dim3A_731 : vector<1x512xi1>, vector<1x512xi16>
      %or3A_775 = arith.constant 16384 : i16
      %or3A_776 = vector.broadcast %or3A_775 : i16 to vector<1x512xi16>
      %or3A_777 = arith.ori %select_n3A_774, %or3A_776 : vector<1x512xi16>
      %ge3A_778 = vector.broadcast %or3A_777 : vector<1x512xi16> to vector<1024x512xi16>
      %ge3A_779 = arith.cmpi sge, %convert_element_type3A_32, %ge3A_778 : vector<1024x512xi16>
      %and3A_780 = arith.andi %eq3A_691, %ge3A_779 : vector<1024x512xi1>
      %jit3A_781 = arith.constant 1 : i16
      %jit3A_782 = arith.constant 0 : i16
      %broadcast_in_dim3A_783 = vector.broadcast %jit3A_781 : i16 to vector<1024x512xi16>
      %broadcast_in_dim3A_784 = vector.broadcast %jit3A_782 : i16 to vector<1024x512xi16>
      %select_n3A_785 = arith.select %and3A_780, %broadcast_in_dim3A_783, %broadcast_in_dim3A_784 : vector<1024x512xi1>, vector<1024x512xi16>
      %slice3A_786 = vector.extract_strided_slice %select_n3A_785 {offsets = [0, 0], sizes = [512, 512], strides = [1, 1]} : vector<1024x512xi16> to vector<512x512xi16>
      %slice3A_787 = vector.extract_strided_slice %select_n3A_785 {offsets = [512, 0], sizes = [512, 512], strides = [1, 1]} : vector<1024x512xi16> to vector<512x512xi16>
      %add3A_788 = arith.addi %slice3A_786, %slice3A_787 : vector<512x512xi16>
      %slice3A_789 = vector.extract_strided_slice %add3A_788 {offsets = [0, 0], sizes = [256, 512], strides = [1, 1]} : vector<512x512xi16> to vector<256x512xi16>
      %slice3A_790 = vector.extract_strided_slice %add3A_788 {offsets = [256, 0], sizes = [256, 512], strides = [1, 1]} : vector<512x512xi16> to vector<256x512xi16>
      %add3A_791 = arith.addi %slice3A_789, %slice3A_790 : vector<256x512xi16>
      %slice3A_792 = vector.extract_strided_slice %add3A_791 {offsets = [0, 0], sizes = [128, 512], strides = [1, 1]} : vector<256x512xi16> to vector<128x512xi16>
      %slice3A_793 = vector.extract_strided_slice %add3A_791 {offsets = [128, 0], sizes = [128, 512], strides = [1, 1]} : vector<256x512xi16> to vector<128x512xi16>
      %add3A_794 = arith.addi %slice3A_792, %slice3A_793 : vector<128x512xi16>
      %slice3A_795 = vector.extract_strided_slice %add3A_794 {offsets = [0, 0], sizes = [64, 512], strides = [1, 1]} : vector<128x512xi16> to vector<64x512xi16>
      %slice3A_796 = vector.extract_strided_slice %add3A_794 {offsets = [64, 0], sizes = [64, 512], strides = [1, 1]} : vector<128x512xi16> to vector<64x512xi16>
      %add3A_797 = arith.addi %slice3A_795, %slice3A_796 : vector<64x512xi16>
      %slice3A_798 = vector.extract_strided_slice %add3A_797 {offsets = [0, 0], sizes = [32, 512], strides = [1, 1]} : vector<64x512xi16> to vector<32x512xi16>
      %slice3A_799 = vector.extract_strided_slice %add3A_797 {offsets = [32, 0], sizes = [32, 512], strides = [1, 1]} : vector<64x512xi16> to vector<32x512xi16>
      %add3A_800 = arith.addi %slice3A_798, %slice3A_799 : vector<32x512xi16>
      %slice3A_801 = vector.extract_strided_slice %add3A_800 {offsets = [0, 0], sizes = [16, 512], strides = [1, 1]} : vector<32x512xi16> to vector<16x512xi16>
      %slice3A_802 = vector.extract_strided_slice %add3A_800 {offsets = [16, 0], sizes = [16, 512], strides = [1, 1]} : vector<32x512xi16> to vector<16x512xi16>
      %add3A_803 = arith.addi %slice3A_801, %slice3A_802 : vector<16x512xi16>
      %slice3A_804 = vector.extract_strided_slice %add3A_803 {offsets = [0, 0], sizes = [8, 512], strides = [1, 1]} : vector<16x512xi16> to vector<8x512xi16>
      %slice3A_805 = vector.extract_strided_slice %add3A_803 {offsets = [8, 0], sizes = [8, 512], strides = [1, 1]} : vector<16x512xi16> to vector<8x512xi16>
      %add3A_806 = arith.addi %slice3A_804, %slice3A_805 : vector<8x512xi16>
      %slice3A_807 = vector.extract_strided_slice %add3A_806 {offsets = [0, 0], sizes = [4, 512], strides = [1, 1]} : vector<8x512xi16> to vector<4x512xi16>
      %slice3A_808 = vector.extract_strided_slice %add3A_806 {offsets = [4, 0], sizes = [4, 512], strides = [1, 1]} : vector<8x512xi16> to vector<4x512xi16>
      %add3A_809 = arith.addi %slice3A_807, %slice3A_808 : vector<4x512xi16>
      %slice3A_810 = vector.extract_strided_slice %add3A_809 {offsets = [0, 0], sizes = [2, 512], strides = [1, 1]} : vector<4x512xi16> to vector<2x512xi16>
      %slice3A_811 = vector.extract_strided_slice %add3A_809 {offsets = [2, 0], sizes = [2, 512], strides = [1, 1]} : vector<4x512xi16> to vector<2x512xi16>
      %add3A_812 = arith.addi %slice3A_810, %slice3A_811 : vector<2x512xi16>
      %slice3A_813 = vector.extract_strided_slice %add3A_812 {offsets = [0, 0], sizes = [1, 512], strides = [1, 1]} : vector<2x512xi16> to vector<1x512xi16>
      %slice3A_814 = vector.extract_strided_slice %add3A_812 {offsets = [1, 0], sizes = [1, 512], strides = [1, 1]} : vector<2x512xi16> to vector<1x512xi16>
      %add3A_815 = arith.addi %slice3A_813, %slice3A_814 : vector<1x512xi16>
      %ge3A_816 = arith.cmpi sge, %add3A_815, %sub3A_729 : vector<1x512xi16>
      %select_n3A_817 = arith.select %ge3A_816, %or3A_777, %select_n3A_774 : vector<1x512xi1>, vector<1x512xi16>
      %or3A_818 = arith.constant 8192 : i16
      %or3A_819 = vector.broadcast %or3A_818 : i16 to vector<1x512xi16>
      %or3A_820 = arith.ori %select_n3A_817, %or3A_819 : vector<1x512xi16>
      %ge3A_821 = vector.broadcast %or3A_820 : vector<1x512xi16> to vector<1024x512xi16>
      %ge3A_822 = arith.cmpi sge, %convert_element_type3A_32, %ge3A_821 : vector<1024x512xi16>
      %and3A_823 = arith.andi %eq3A_691, %ge3A_822 : vector<1024x512xi1>
      %jit3A_824 = arith.constant 1 : i16
      %jit3A_825 = arith.constant 0 : i16
      %broadcast_in_dim3A_826 = vector.broadcast %jit3A_824 : i16 to vector<1024x512xi16>
      %broadcast_in_dim3A_827 = vector.broadcast %jit3A_825 : i16 to vector<1024x512xi16>
      %select_n3A_828 = arith.select %and3A_823, %broadcast_in_dim3A_826, %broadcast_in_dim3A_827 : vector<1024x512xi1>, vector<1024x512xi16>
      %slice3A_829 = vector.extract_strided_slice %select_n3A_828 {offsets = [0, 0], sizes = [512, 512], strides = [1, 1]} : vector<1024x512xi16> to vector<512x512xi16>
      %slice3A_830 = vector.extract_strided_slice %select_n3A_828 {offsets = [512, 0], sizes = [512, 512], strides = [1, 1]} : vector<1024x512xi16> to vector<512x512xi16>
      %add3A_831 = arith.addi %slice3A_829, %slice3A_830 : vector<512x512xi16>
      %slice3A_832 = vector.extract_strided_slice %add3A_831 {offsets = [0, 0], sizes = [256, 512], strides = [1, 1]} : vector<512x512xi16> to vector<256x512xi16>
      %slice3A_833 = vector.extract_strided_slice %add3A_831 {offsets = [256, 0], sizes = [256, 512], strides = [1, 1]} : vector<512x512xi16> to vector<256x512xi16>
      %add3A_834 = arith.addi %slice3A_832, %slice3A_833 : vector<256x512xi16>
      %slice3A_835 = vector.extract_strided_slice %add3A_834 {offsets = [0, 0], sizes = [128, 512], strides = [1, 1]} : vector<256x512xi16> to vector<128x512xi16>
      %slice3A_836 = vector.extract_strided_slice %add3A_834 {offsets = [128, 0], sizes = [128, 512], strides = [1, 1]} : vector<256x512xi16> to vector<128x512xi16>
      %add3A_837 = arith.addi %slice3A_835, %slice3A_836 : vector<128x512xi16>
      %slice3A_838 = vector.extract_strided_slice %add3A_837 {offsets = [0, 0], sizes = [64, 512], strides = [1, 1]} : vector<128x512xi16> to vector<64x512xi16>
      %slice3A_839 = vector.extract_strided_slice %add3A_837 {offsets = [64, 0], sizes = [64, 512], strides = [1, 1]} : vector<128x512xi16> to vector<64x512xi16>
      %add3A_840 = arith.addi %slice3A_838, %slice3A_839 : vector<64x512xi16>
      %slice3A_841 = vector.extract_strided_slice %add3A_840 {offsets = [0, 0], sizes = [32, 512], strides = [1, 1]} : vector<64x512xi16> to vector<32x512xi16>
      %slice3A_842 = vector.extract_strided_slice %add3A_840 {offsets = [32, 0], sizes = [32, 512], strides = [1, 1]} : vector<64x512xi16> to vector<32x512xi16>
      %add3A_843 = arith.addi %slice3A_841, %slice3A_842 : vector<32x512xi16>
      %slice3A_844 = vector.extract_strided_slice %add3A_843 {offsets = [0, 0], sizes = [16, 512], strides = [1, 1]} : vector<32x512xi16> to vector<16x512xi16>
      %slice3A_845 = vector.extract_strided_slice %add3A_843 {offsets = [16, 0], sizes = [16, 512], strides = [1, 1]} : vector<32x512xi16> to vector<16x512xi16>
      %add3A_846 = arith.addi %slice3A_844, %slice3A_845 : vector<16x512xi16>
      %slice3A_847 = vector.extract_strided_slice %add3A_846 {offsets = [0, 0], sizes = [8, 512], strides = [1, 1]} : vector<16x512xi16> to vector<8x512xi16>
      %slice3A_848 = vector.extract_strided_slice %add3A_846 {offsets = [8, 0], sizes = [8, 512], strides = [1, 1]} : vector<16x512xi16> to vector<8x512xi16>
      %add3A_849 = arith.addi %slice3A_847, %slice3A_848 : vector<8x512xi16>
      %slice3A_850 = vector.extract_strided_slice %add3A_849 {offsets = [0, 0], sizes = [4, 512], strides = [1, 1]} : vector<8x512xi16> to vector<4x512xi16>
      %slice3A_851 = vector.extract_strided_slice %add3A_849 {offsets = [4, 0], sizes = [4, 512], strides = [1, 1]} : vector<8x512xi16> to vector<4x512xi16>
      %add3A_852 = arith.addi %slice3A_850, %slice3A_851 : vector<4x512xi16>
      %slice3A_853 = vector.extract_strided_slice %add3A_852 {offsets = [0, 0], sizes = [2, 512], strides = [1, 1]} : vector<4x512xi16> to vector<2x512xi16>
      %slice3A_854 = vector.extract_strided_slice %add3A_852 {offsets = [2, 0], sizes = [2, 512], strides = [1, 1]} : vector<4x512xi16> to vector<2x512xi16>
      %add3A_855 = arith.addi %slice3A_853, %slice3A_854 : vector<2x512xi16>
      %slice3A_856 = vector.extract_strided_slice %add3A_855 {offsets = [0, 0], sizes = [1, 512], strides = [1, 1]} : vector<2x512xi16> to vector<1x512xi16>
      %slice3A_857 = vector.extract_strided_slice %add3A_855 {offsets = [1, 0], sizes = [1, 512], strides = [1, 1]} : vector<2x512xi16> to vector<1x512xi16>
      %add3A_858 = arith.addi %slice3A_856, %slice3A_857 : vector<1x512xi16>
      %ge3A_859 = arith.cmpi sge, %add3A_858, %sub3A_729 : vector<1x512xi16>
      %select_n3A_860 = arith.select %ge3A_859, %or3A_820, %select_n3A_817 : vector<1x512xi1>, vector<1x512xi16>
      %or3A_861 = arith.constant 4096 : i16
      %or3A_862 = vector.broadcast %or3A_861 : i16 to vector<1x512xi16>
      %or3A_863 = arith.ori %select_n3A_860, %or3A_862 : vector<1x512xi16>
      %ge3A_864 = vector.broadcast %or3A_863 : vector<1x512xi16> to vector<1024x512xi16>
      %ge3A_865 = arith.cmpi sge, %convert_element_type3A_32, %ge3A_864 : vector<1024x512xi16>
      %and3A_866 = arith.andi %eq3A_691, %ge3A_865 : vector<1024x512xi1>
      %jit3A_867 = arith.constant 1 : i16
      %jit3A_868 = arith.constant 0 : i16
      %broadcast_in_dim3A_869 = vector.broadcast %jit3A_867 : i16 to vector<1024x512xi16>
      %broadcast_in_dim3A_870 = vector.broadcast %jit3A_868 : i16 to vector<1024x512xi16>
      %select_n3A_871 = arith.select %and3A_866, %broadcast_in_dim3A_869, %broadcast_in_dim3A_870 : vector<1024x512xi1>, vector<1024x512xi16>
      %slice3A_872 = vector.extract_strided_slice %select_n3A_871 {offsets = [0, 0], sizes = [512, 512], strides = [1, 1]} : vector<1024x512xi16> to vector<512x512xi16>
      %slice3A_873 = vector.extract_strided_slice %select_n3A_871 {offsets = [512, 0], sizes = [512, 512], strides = [1, 1]} : vector<1024x512xi16> to vector<512x512xi16>
      %add3A_874 = arith.addi %slice3A_872, %slice3A_873 : vector<512x512xi16>
      %slice3A_875 = vector.extract_strided_slice %add3A_874 {offsets = [0, 0], sizes = [256, 512], strides = [1, 1]} : vector<512x512xi16> to vector<256x512xi16>
      %slice3A_876 = vector.extract_strided_slice %add3A_874 {offsets = [256, 0], sizes = [256, 512], strides = [1, 1]} : vector<512x512xi16> to vector<256x512xi16>
      %add3A_877 = arith.addi %slice3A_875, %slice3A_876 : vector<256x512xi16>
      %slice3A_878 = vector.extract_strided_slice %add3A_877 {offsets = [0, 0], sizes = [128, 512], strides = [1, 1]} : vector<256x512xi16> to vector<128x512xi16>
      %slice3A_879 = vector.extract_strided_slice %add3A_877 {offsets = [128, 0], sizes = [128, 512], strides = [1, 1]} : vector<256x512xi16> to vector<128x512xi16>
      %add3A_880 = arith.addi %slice3A_878, %slice3A_879 : vector<128x512xi16>
      %slice3A_881 = vector.extract_strided_slice %add3A_880 {offsets = [0, 0], sizes = [64, 512], strides = [1, 1]} : vector<128x512xi16> to vector<64x512xi16>
      %slice3A_882 = vector.extract_strided_slice %add3A_880 {offsets = [64, 0], sizes = [64, 512], strides = [1, 1]} : vector<128x512xi16> to vector<64x512xi16>
      %add3A_883 = arith.addi %slice3A_881, %slice3A_882 : vector<64x512xi16>
      %slice3A_884 = vector.extract_strided_slice %add3A_883 {offsets = [0, 0], sizes = [32, 512], strides = [1, 1]} : vector<64x512xi16> to vector<32x512xi16>
      %slice3A_885 = vector.extract_strided_slice %add3A_883 {offsets = [32, 0], sizes = [32, 512], strides = [1, 1]} : vector<64x512xi16> to vector<32x512xi16>
      %add3A_886 = arith.addi %slice3A_884, %slice3A_885 : vector<32x512xi16>
      %slice3A_887 = vector.extract_strided_slice %add3A_886 {offsets = [0, 0], sizes = [16, 512], strides = [1, 1]} : vector<32x512xi16> to vector<16x512xi16>
      %slice3A_888 = vector.extract_strided_slice %add3A_886 {offsets = [16, 0], sizes = [16, 512], strides = [1, 1]} : vector<32x512xi16> to vector<16x512xi16>
      %add3A_889 = arith.addi %slice3A_887, %slice3A_888 : vector<16x512xi16>
      %slice3A_890 = vector.extract_strided_slice %add3A_889 {offsets = [0, 0], sizes = [8, 512], strides = [1, 1]} : vector<16x512xi16> to vector<8x512xi16>
      %slice3A_891 = vector.extract_strided_slice %add3A_889 {offsets = [8, 0], sizes = [8, 512], strides = [1, 1]} : vector<16x512xi16> to vector<8x512xi16>
      %add3A_892 = arith.addi %slice3A_890, %slice3A_891 : vector<8x512xi16>
      %slice3A_893 = vector.extract_strided_slice %add3A_892 {offsets = [0, 0], sizes = [4, 512], strides = [1, 1]} : vector<8x512xi16> to vector<4x512xi16>
      %slice3A_894 = vector.extract_strided_slice %add3A_892 {offsets = [4, 0], sizes = [4, 512], strides = [1, 1]} : vector<8x512xi16> to vector<4x512xi16>
      %add3A_895 = arith.addi %slice3A_893, %slice3A_894 : vector<4x512xi16>
      %slice3A_896 = vector.extract_strided_slice %add3A_895 {offsets = [0, 0], sizes = [2, 512], strides = [1, 1]} : vector<4x512xi16> to vector<2x512xi16>
      %slice3A_897 = vector.extract_strided_slice %add3A_895 {offsets = [2, 0], sizes = [2, 512], strides = [1, 1]} : vector<4x512xi16> to vector<2x512xi16>
      %add3A_898 = arith.addi %slice3A_896, %slice3A_897 : vector<2x512xi16>
      %slice3A_899 = vector.extract_strided_slice %add3A_898 {offsets = [0, 0], sizes = [1, 512], strides = [1, 1]} : vector<2x512xi16> to vector<1x512xi16>
      %slice3A_900 = vector.extract_strided_slice %add3A_898 {offsets = [1, 0], sizes = [1, 512], strides = [1, 1]} : vector<2x512xi16> to vector<1x512xi16>
      %add3A_901 = arith.addi %slice3A_899, %slice3A_900 : vector<1x512xi16>
      %ge3A_902 = arith.cmpi sge, %add3A_901, %sub3A_729 : vector<1x512xi16>
      %select_n3A_903 = arith.select %ge3A_902, %or3A_863, %select_n3A_860 : vector<1x512xi1>, vector<1x512xi16>
      %or3A_904 = arith.constant 2048 : i16
      %or3A_905 = vector.broadcast %or3A_904 : i16 to vector<1x512xi16>
      %or3A_906 = arith.ori %select_n3A_903, %or3A_905 : vector<1x512xi16>
      %ge3A_907 = vector.broadcast %or3A_906 : vector<1x512xi16> to vector<1024x512xi16>
      %ge3A_908 = arith.cmpi sge, %convert_element_type3A_32, %ge3A_907 : vector<1024x512xi16>
      %and3A_909 = arith.andi %eq3A_691, %ge3A_908 : vector<1024x512xi1>
      %jit3A_910 = arith.constant 1 : i16
      %jit3A_911 = arith.constant 0 : i16
      %broadcast_in_dim3A_912 = vector.broadcast %jit3A_910 : i16 to vector<1024x512xi16>
      %broadcast_in_dim3A_913 = vector.broadcast %jit3A_911 : i16 to vector<1024x512xi16>
      %select_n3A_914 = arith.select %and3A_909, %broadcast_in_dim3A_912, %broadcast_in_dim3A_913 : vector<1024x512xi1>, vector<1024x512xi16>
      %slice3A_915 = vector.extract_strided_slice %select_n3A_914 {offsets = [0, 0], sizes = [512, 512], strides = [1, 1]} : vector<1024x512xi16> to vector<512x512xi16>
      %slice3A_916 = vector.extract_strided_slice %select_n3A_914 {offsets = [512, 0], sizes = [512, 512], strides = [1, 1]} : vector<1024x512xi16> to vector<512x512xi16>
      %add3A_917 = arith.addi %slice3A_915, %slice3A_916 : vector<512x512xi16>
      %slice3A_918 = vector.extract_strided_slice %add3A_917 {offsets = [0, 0], sizes = [256, 512], strides = [1, 1]} : vector<512x512xi16> to vector<256x512xi16>
      %slice3A_919 = vector.extract_strided_slice %add3A_917 {offsets = [256, 0], sizes = [256, 512], strides = [1, 1]} : vector<512x512xi16> to vector<256x512xi16>
      %add3A_920 = arith.addi %slice3A_918, %slice3A_919 : vector<256x512xi16>
      %slice3A_921 = vector.extract_strided_slice %add3A_920 {offsets = [0, 0], sizes = [128, 512], strides = [1, 1]} : vector<256x512xi16> to vector<128x512xi16>
      %slice3A_922 = vector.extract_strided_slice %add3A_920 {offsets = [128, 0], sizes = [128, 512], strides = [1, 1]} : vector<256x512xi16> to vector<128x512xi16>
      %add3A_923 = arith.addi %slice3A_921, %slice3A_922 : vector<128x512xi16>
      %slice3A_924 = vector.extract_strided_slice %add3A_923 {offsets = [0, 0], sizes = [64, 512], strides = [1, 1]} : vector<128x512xi16> to vector<64x512xi16>
      %slice3A_925 = vector.extract_strided_slice %add3A_923 {offsets = [64, 0], sizes = [64, 512], strides = [1, 1]} : vector<128x512xi16> to vector<64x512xi16>
      %add3A_926 = arith.addi %slice3A_924, %slice3A_925 : vector<64x512xi16>
      %slice3A_927 = vector.extract_strided_slice %add3A_926 {offsets = [0, 0], sizes = [32, 512], strides = [1, 1]} : vector<64x512xi16> to vector<32x512xi16>
      %slice3A_928 = vector.extract_strided_slice %add3A_926 {offsets = [32, 0], sizes = [32, 512], strides = [1, 1]} : vector<64x512xi16> to vector<32x512xi16>
      %add3A_929 = arith.addi %slice3A_927, %slice3A_928 : vector<32x512xi16>
      %slice3A_930 = vector.extract_strided_slice %add3A_929 {offsets = [0, 0], sizes = [16, 512], strides = [1, 1]} : vector<32x512xi16> to vector<16x512xi16>
      %slice3A_931 = vector.extract_strided_slice %add3A_929 {offsets = [16, 0], sizes = [16, 512], strides = [1, 1]} : vector<32x512xi16> to vector<16x512xi16>
      %add3A_932 = arith.addi %slice3A_930, %slice3A_931 : vector<16x512xi16>
      %slice3A_933 = vector.extract_strided_slice %add3A_932 {offsets = [0, 0], sizes = [8, 512], strides = [1, 1]} : vector<16x512xi16> to vector<8x512xi16>
      %slice3A_934 = vector.extract_strided_slice %add3A_932 {offsets = [8, 0], sizes = [8, 512], strides = [1, 1]} : vector<16x512xi16> to vector<8x512xi16>
      %add3A_935 = arith.addi %slice3A_933, %slice3A_934 : vector<8x512xi16>
      %slice3A_936 = vector.extract_strided_slice %add3A_935 {offsets = [0, 0], sizes = [4, 512], strides = [1, 1]} : vector<8x512xi16> to vector<4x512xi16>
      %slice3A_937 = vector.extract_strided_slice %add3A_935 {offsets = [4, 0], sizes = [4, 512], strides = [1, 1]} : vector<8x512xi16> to vector<4x512xi16>
      %add3A_938 = arith.addi %slice3A_936, %slice3A_937 : vector<4x512xi16>
      %slice3A_939 = vector.extract_strided_slice %add3A_938 {offsets = [0, 0], sizes = [2, 512], strides = [1, 1]} : vector<4x512xi16> to vector<2x512xi16>
      %slice3A_940 = vector.extract_strided_slice %add3A_938 {offsets = [2, 0], sizes = [2, 512], strides = [1, 1]} : vector<4x512xi16> to vector<2x512xi16>
      %add3A_941 = arith.addi %slice3A_939, %slice3A_940 : vector<2x512xi16>
      %slice3A_942 = vector.extract_strided_slice %add3A_941 {offsets = [0, 0], sizes = [1, 512], strides = [1, 1]} : vector<2x512xi16> to vector<1x512xi16>
      %slice3A_943 = vector.extract_strided_slice %add3A_941 {offsets = [1, 0], sizes = [1, 512], strides = [1, 1]} : vector<2x512xi16> to vector<1x512xi16>
      %add3A_944 = arith.addi %slice3A_942, %slice3A_943 : vector<1x512xi16>
      %ge3A_945 = arith.cmpi sge, %add3A_944, %sub3A_729 : vector<1x512xi16>
      %select_n3A_946 = arith.select %ge3A_945, %or3A_906, %select_n3A_903 : vector<1x512xi1>, vector<1x512xi16>
      %or3A_947 = arith.constant 1024 : i16
      %or3A_948 = vector.broadcast %or3A_947 : i16 to vector<1x512xi16>
      %or3A_949 = arith.ori %select_n3A_946, %or3A_948 : vector<1x512xi16>
      %ge3A_950 = vector.broadcast %or3A_949 : vector<1x512xi16> to vector<1024x512xi16>
      %ge3A_951 = arith.cmpi sge, %convert_element_type3A_32, %ge3A_950 : vector<1024x512xi16>
      %and3A_952 = arith.andi %eq3A_691, %ge3A_951 : vector<1024x512xi1>
      %jit3A_953 = arith.constant 1 : i16
      %jit3A_954 = arith.constant 0 : i16
      %broadcast_in_dim3A_955 = vector.broadcast %jit3A_953 : i16 to vector<1024x512xi16>
      %broadcast_in_dim3A_956 = vector.broadcast %jit3A_954 : i16 to vector<1024x512xi16>
      %select_n3A_957 = arith.select %and3A_952, %broadcast_in_dim3A_955, %broadcast_in_dim3A_956 : vector<1024x512xi1>, vector<1024x512xi16>
      %slice3A_958 = vector.extract_strided_slice %select_n3A_957 {offsets = [0, 0], sizes = [512, 512], strides = [1, 1]} : vector<1024x512xi16> to vector<512x512xi16>
      %slice3A_959 = vector.extract_strided_slice %select_n3A_957 {offsets = [512, 0], sizes = [512, 512], strides = [1, 1]} : vector<1024x512xi16> to vector<512x512xi16>
      %add3A_960 = arith.addi %slice3A_958, %slice3A_959 : vector<512x512xi16>
      %slice3A_961 = vector.extract_strided_slice %add3A_960 {offsets = [0, 0], sizes = [256, 512], strides = [1, 1]} : vector<512x512xi16> to vector<256x512xi16>
      %slice3A_962 = vector.extract_strided_slice %add3A_960 {offsets = [256, 0], sizes = [256, 512], strides = [1, 1]} : vector<512x512xi16> to vector<256x512xi16>
      %add3A_963 = arith.addi %slice3A_961, %slice3A_962 : vector<256x512xi16>
      %slice3A_964 = vector.extract_strided_slice %add3A_963 {offsets = [0, 0], sizes = [128, 512], strides = [1, 1]} : vector<256x512xi16> to vector<128x512xi16>
      %slice3A_965 = vector.extract_strided_slice %add3A_963 {offsets = [128, 0], sizes = [128, 512], strides = [1, 1]} : vector<256x512xi16> to vector<128x512xi16>
      %add3A_966 = arith.addi %slice3A_964, %slice3A_965 : vector<128x512xi16>
      %slice3A_967 = vector.extract_strided_slice %add3A_966 {offsets = [0, 0], sizes = [64, 512], strides = [1, 1]} : vector<128x512xi16> to vector<64x512xi16>
      %slice3A_968 = vector.extract_strided_slice %add3A_966 {offsets = [64, 0], sizes = [64, 512], strides = [1, 1]} : vector<128x512xi16> to vector<64x512xi16>
      %add3A_969 = arith.addi %slice3A_967, %slice3A_968 : vector<64x512xi16>
      %slice3A_970 = vector.extract_strided_slice %add3A_969 {offsets = [0, 0], sizes = [32, 512], strides = [1, 1]} : vector<64x512xi16> to vector<32x512xi16>
      %slice3A_971 = vector.extract_strided_slice %add3A_969 {offsets = [32, 0], sizes = [32, 512], strides = [1, 1]} : vector<64x512xi16> to vector<32x512xi16>
      %add3A_972 = arith.addi %slice3A_970, %slice3A_971 : vector<32x512xi16>
      %slice3A_973 = vector.extract_strided_slice %add3A_972 {offsets = [0, 0], sizes = [16, 512], strides = [1, 1]} : vector<32x512xi16> to vector<16x512xi16>
      %slice3A_974 = vector.extract_strided_slice %add3A_972 {offsets = [16, 0], sizes = [16, 512], strides = [1, 1]} : vector<32x512xi16> to vector<16x512xi16>
      %add3A_975 = arith.addi %slice3A_973, %slice3A_974 : vector<16x512xi16>
      %slice3A_976 = vector.extract_strided_slice %add3A_975 {offsets = [0, 0], sizes = [8, 512], strides = [1, 1]} : vector<16x512xi16> to vector<8x512xi16>
      %slice3A_977 = vector.extract_strided_slice %add3A_975 {offsets = [8, 0], sizes = [8, 512], strides = [1, 1]} : vector<16x512xi16> to vector<8x512xi16>
      %add3A_978 = arith.addi %slice3A_976, %slice3A_977 : vector<8x512xi16>
      %slice3A_979 = vector.extract_strided_slice %add3A_978 {offsets = [0, 0], sizes = [4, 512], strides = [1, 1]} : vector<8x512xi16> to vector<4x512xi16>
      %slice3A_980 = vector.extract_strided_slice %add3A_978 {offsets = [4, 0], sizes = [4, 512], strides = [1, 1]} : vector<8x512xi16> to vector<4x512xi16>
      %add3A_981 = arith.addi %slice3A_979, %slice3A_980 : vector<4x512xi16>
      %slice3A_982 = vector.extract_strided_slice %add3A_981 {offsets = [0, 0], sizes = [2, 512], strides = [1, 1]} : vector<4x512xi16> to vector<2x512xi16>
      %slice3A_983 = vector.extract_strided_slice %add3A_981 {offsets = [2, 0], sizes = [2, 512], strides = [1, 1]} : vector<4x512xi16> to vector<2x512xi16>
      %add3A_984 = arith.addi %slice3A_982, %slice3A_983 : vector<2x512xi16>
      %slice3A_985 = vector.extract_strided_slice %add3A_984 {offsets = [0, 0], sizes = [1, 512], strides = [1, 1]} : vector<2x512xi16> to vector<1x512xi16>
      %slice3A_986 = vector.extract_strided_slice %add3A_984 {offsets = [1, 0], sizes = [1, 512], strides = [1, 1]} : vector<2x512xi16> to vector<1x512xi16>
      %add3A_987 = arith.addi %slice3A_985, %slice3A_986 : vector<1x512xi16>
      %ge3A_988 = arith.cmpi sge, %add3A_987, %sub3A_729 : vector<1x512xi16>
      %select_n3A_989 = arith.select %ge3A_988, %or3A_949, %select_n3A_946 : vector<1x512xi1>, vector<1x512xi16>
      %or3A_990 = arith.constant 512 : i16
      %or3A_991 = vector.broadcast %or3A_990 : i16 to vector<1x512xi16>
      %or3A_992 = arith.ori %select_n3A_989, %or3A_991 : vector<1x512xi16>
      %ge3A_993 = vector.broadcast %or3A_992 : vector<1x512xi16> to vector<1024x512xi16>
      %ge3A_994 = arith.cmpi sge, %convert_element_type3A_32, %ge3A_993 : vector<1024x512xi16>
      %and3A_995 = arith.andi %eq3A_691, %ge3A_994 : vector<1024x512xi1>
      %jit3A_996 = arith.constant 1 : i16
      %jit3A_997 = arith.constant 0 : i16
      %broadcast_in_dim3A_998 = vector.broadcast %jit3A_996 : i16 to vector<1024x512xi16>
      %broadcast_in_dim3A_999 = vector.broadcast %jit3A_997 : i16 to vector<1024x512xi16>
      %select_n3A_1000 = arith.select %and3A_995, %broadcast_in_dim3A_998, %broadcast_in_dim3A_999 : vector<1024x512xi1>, vector<1024x512xi16>
      %slice3A_1001 = vector.extract_strided_slice %select_n3A_1000 {offsets = [0, 0], sizes = [512, 512], strides = [1, 1]} : vector<1024x512xi16> to vector<512x512xi16>
      %slice3A_1002 = vector.extract_strided_slice %select_n3A_1000 {offsets = [512, 0], sizes = [512, 512], strides = [1, 1]} : vector<1024x512xi16> to vector<512x512xi16>
      %add3A_1003 = arith.addi %slice3A_1001, %slice3A_1002 : vector<512x512xi16>
      %slice3A_1004 = vector.extract_strided_slice %add3A_1003 {offsets = [0, 0], sizes = [256, 512], strides = [1, 1]} : vector<512x512xi16> to vector<256x512xi16>
      %slice3A_1005 = vector.extract_strided_slice %add3A_1003 {offsets = [256, 0], sizes = [256, 512], strides = [1, 1]} : vector<512x512xi16> to vector<256x512xi16>
      %add3A_1006 = arith.addi %slice3A_1004, %slice3A_1005 : vector<256x512xi16>
      %slice3A_1007 = vector.extract_strided_slice %add3A_1006 {offsets = [0, 0], sizes = [128, 512], strides = [1, 1]} : vector<256x512xi16> to vector<128x512xi16>
      %slice3A_1008 = vector.extract_strided_slice %add3A_1006 {offsets = [128, 0], sizes = [128, 512], strides = [1, 1]} : vector<256x512xi16> to vector<128x512xi16>
      %add3A_1009 = arith.addi %slice3A_1007, %slice3A_1008 : vector<128x512xi16>
      %slice3A_1010 = vector.extract_strided_slice %add3A_1009 {offsets = [0, 0], sizes = [64, 512], strides = [1, 1]} : vector<128x512xi16> to vector<64x512xi16>
      %slice3A_1011 = vector.extract_strided_slice %add3A_1009 {offsets = [64, 0], sizes = [64, 512], strides = [1, 1]} : vector<128x512xi16> to vector<64x512xi16>
      %add3A_1012 = arith.addi %slice3A_1010, %slice3A_1011 : vector<64x512xi16>
      %slice3A_1013 = vector.extract_strided_slice %add3A_1012 {offsets = [0, 0], sizes = [32, 512], strides = [1, 1]} : vector<64x512xi16> to vector<32x512xi16>
      %slice3A_1014 = vector.extract_strided_slice %add3A_1012 {offsets = [32, 0], sizes = [32, 512], strides = [1, 1]} : vector<64x512xi16> to vector<32x512xi16>
      %add3A_1015 = arith.addi %slice3A_1013, %slice3A_1014 : vector<32x512xi16>
      %slice3A_1016 = vector.extract_strided_slice %add3A_1015 {offsets = [0, 0], sizes = [16, 512], strides = [1, 1]} : vector<32x512xi16> to vector<16x512xi16>
      %slice3A_1017 = vector.extract_strided_slice %add3A_1015 {offsets = [16, 0], sizes = [16, 512], strides = [1, 1]} : vector<32x512xi16> to vector<16x512xi16>
      %add3A_1018 = arith.addi %slice3A_1016, %slice3A_1017 : vector<16x512xi16>
      %slice3A_1019 = vector.extract_strided_slice %add3A_1018 {offsets = [0, 0], sizes = [8, 512], strides = [1, 1]} : vector<16x512xi16> to vector<8x512xi16>
      %slice3A_1020 = vector.extract_strided_slice %add3A_1018 {offsets = [8, 0], sizes = [8, 512], strides = [1, 1]} : vector<16x512xi16> to vector<8x512xi16>
      %add3A_1021 = arith.addi %slice3A_1019, %slice3A_1020 : vector<8x512xi16>
      %slice3A_1022 = vector.extract_strided_slice %add3A_1021 {offsets = [0, 0], sizes = [4, 512], strides = [1, 1]} : vector<8x512xi16> to vector<4x512xi16>
      %slice3A_1023 = vector.extract_strided_slice %add3A_1021 {offsets = [4, 0], sizes = [4, 512], strides = [1, 1]} : vector<8x512xi16> to vector<4x512xi16>
      %add3A_1024 = arith.addi %slice3A_1022, %slice3A_1023 : vector<4x512xi16>
      %slice3A_1025 = vector.extract_strided_slice %add3A_1024 {offsets = [0, 0], sizes = [2, 512], strides = [1, 1]} : vector<4x512xi16> to vector<2x512xi16>
      %slice3A_1026 = vector.extract_strided_slice %add3A_1024 {offsets = [2, 0], sizes = [2, 512], strides = [1, 1]} : vector<4x512xi16> to vector<2x512xi16>
      %add3A_1027 = arith.addi %slice3A_1025, %slice3A_1026 : vector<2x512xi16>
      %slice3A_1028 = vector.extract_strided_slice %add3A_1027 {offsets = [0, 0], sizes = [1, 512], strides = [1, 1]} : vector<2x512xi16> to vector<1x512xi16>
      %slice3A_1029 = vector.extract_strided_slice %add3A_1027 {offsets = [1, 0], sizes = [1, 512], strides = [1, 1]} : vector<2x512xi16> to vector<1x512xi16>
      %add3A_1030 = arith.addi %slice3A_1028, %slice3A_1029 : vector<1x512xi16>
      %ge3A_1031 = arith.cmpi sge, %add3A_1030, %sub3A_729 : vector<1x512xi16>
      %select_n3A_1032 = arith.select %ge3A_1031, %or3A_992, %select_n3A_989 : vector<1x512xi1>, vector<1x512xi16>
      %or3A_1033 = arith.constant 256 : i16
      %or3A_1034 = vector.broadcast %or3A_1033 : i16 to vector<1x512xi16>
      %or3A_1035 = arith.ori %select_n3A_1032, %or3A_1034 : vector<1x512xi16>
      %ge3A_1036 = vector.broadcast %or3A_1035 : vector<1x512xi16> to vector<1024x512xi16>
      %ge3A_1037 = arith.cmpi sge, %convert_element_type3A_32, %ge3A_1036 : vector<1024x512xi16>
      %and3A_1038 = arith.andi %eq3A_691, %ge3A_1037 : vector<1024x512xi1>
      %jit3A_1039 = arith.constant 1 : i16
      %jit3A_1040 = arith.constant 0 : i16
      %broadcast_in_dim3A_1041 = vector.broadcast %jit3A_1039 : i16 to vector<1024x512xi16>
      %broadcast_in_dim3A_1042 = vector.broadcast %jit3A_1040 : i16 to vector<1024x512xi16>
      %select_n3A_1043 = arith.select %and3A_1038, %broadcast_in_dim3A_1041, %broadcast_in_dim3A_1042 : vector<1024x512xi1>, vector<1024x512xi16>
      %slice3A_1044 = vector.extract_strided_slice %select_n3A_1043 {offsets = [0, 0], sizes = [512, 512], strides = [1, 1]} : vector<1024x512xi16> to vector<512x512xi16>
      %slice3A_1045 = vector.extract_strided_slice %select_n3A_1043 {offsets = [512, 0], sizes = [512, 512], strides = [1, 1]} : vector<1024x512xi16> to vector<512x512xi16>
      %add3A_1046 = arith.addi %slice3A_1044, %slice3A_1045 : vector<512x512xi16>
      %slice3A_1047 = vector.extract_strided_slice %add3A_1046 {offsets = [0, 0], sizes = [256, 512], strides = [1, 1]} : vector<512x512xi16> to vector<256x512xi16>
      %slice3A_1048 = vector.extract_strided_slice %add3A_1046 {offsets = [256, 0], sizes = [256, 512], strides = [1, 1]} : vector<512x512xi16> to vector<256x512xi16>
      %add3A_1049 = arith.addi %slice3A_1047, %slice3A_1048 : vector<256x512xi16>
      %slice3A_1050 = vector.extract_strided_slice %add3A_1049 {offsets = [0, 0], sizes = [128, 512], strides = [1, 1]} : vector<256x512xi16> to vector<128x512xi16>
      %slice3A_1051 = vector.extract_strided_slice %add3A_1049 {offsets = [128, 0], sizes = [128, 512], strides = [1, 1]} : vector<256x512xi16> to vector<128x512xi16>
      %add3A_1052 = arith.addi %slice3A_1050, %slice3A_1051 : vector<128x512xi16>
      %slice3A_1053 = vector.extract_strided_slice %add3A_1052 {offsets = [0, 0], sizes = [64, 512], strides = [1, 1]} : vector<128x512xi16> to vector<64x512xi16>
      %slice3A_1054 = vector.extract_strided_slice %add3A_1052 {offsets = [64, 0], sizes = [64, 512], strides = [1, 1]} : vector<128x512xi16> to vector<64x512xi16>
      %add3A_1055 = arith.addi %slice3A_1053, %slice3A_1054 : vector<64x512xi16>
      %slice3A_1056 = vector.extract_strided_slice %add3A_1055 {offsets = [0, 0], sizes = [32, 512], strides = [1, 1]} : vector<64x512xi16> to vector<32x512xi16>
      %slice3A_1057 = vector.extract_strided_slice %add3A_1055 {offsets = [32, 0], sizes = [32, 512], strides = [1, 1]} : vector<64x512xi16> to vector<32x512xi16>
      %add3A_1058 = arith.addi %slice3A_1056, %slice3A_1057 : vector<32x512xi16>
      %slice3A_1059 = vector.extract_strided_slice %add3A_1058 {offsets = [0, 0], sizes = [16, 512], strides = [1, 1]} : vector<32x512xi16> to vector<16x512xi16>
      %slice3A_1060 = vector.extract_strided_slice %add3A_1058 {offsets = [16, 0], sizes = [16, 512], strides = [1, 1]} : vector<32x512xi16> to vector<16x512xi16>
      %add3A_1061 = arith.addi %slice3A_1059, %slice3A_1060 : vector<16x512xi16>
      %slice3A_1062 = vector.extract_strided_slice %add3A_1061 {offsets = [0, 0], sizes = [8, 512], strides = [1, 1]} : vector<16x512xi16> to vector<8x512xi16>
      %slice3A_1063 = vector.extract_strided_slice %add3A_1061 {offsets = [8, 0], sizes = [8, 512], strides = [1, 1]} : vector<16x512xi16> to vector<8x512xi16>
      %add3A_1064 = arith.addi %slice3A_1062, %slice3A_1063 : vector<8x512xi16>
      %slice3A_1065 = vector.extract_strided_slice %add3A_1064 {offsets = [0, 0], sizes = [4, 512], strides = [1, 1]} : vector<8x512xi16> to vector<4x512xi16>
      %slice3A_1066 = vector.extract_strided_slice %add3A_1064 {offsets = [4, 0], sizes = [4, 512], strides = [1, 1]} : vector<8x512xi16> to vector<4x512xi16>
      %add3A_1067 = arith.addi %slice3A_1065, %slice3A_1066 : vector<4x512xi16>
      %slice3A_1068 = vector.extract_strided_slice %add3A_1067 {offsets = [0, 0], sizes = [2, 512], strides = [1, 1]} : vector<4x512xi16> to vector<2x512xi16>
      %slice3A_1069 = vector.extract_strided_slice %add3A_1067 {offsets = [2, 0], sizes = [2, 512], strides = [1, 1]} : vector<4x512xi16> to vector<2x512xi16>
      %add3A_1070 = arith.addi %slice3A_1068, %slice3A_1069 : vector<2x512xi16>
      %slice3A_1071 = vector.extract_strided_slice %add3A_1070 {offsets = [0, 0], sizes = [1, 512], strides = [1, 1]} : vector<2x512xi16> to vector<1x512xi16>
      %slice3A_1072 = vector.extract_strided_slice %add3A_1070 {offsets = [1, 0], sizes = [1, 512], strides = [1, 1]} : vector<2x512xi16> to vector<1x512xi16>
      %add3A_1073 = arith.addi %slice3A_1071, %slice3A_1072 : vector<1x512xi16>
      %ge3A_1074 = arith.cmpi sge, %add3A_1073, %sub3A_729 : vector<1x512xi16>
      %select_n3A_1075 = arith.select %ge3A_1074, %or3A_1035, %select_n3A_1032 : vector<1x512xi1>, vector<1x512xi16>
      %or3A_1076 = arith.constant 128 : i16
      %or3A_1077 = vector.broadcast %or3A_1076 : i16 to vector<1x512xi16>
      %or3A_1078 = arith.ori %select_n3A_1075, %or3A_1077 : vector<1x512xi16>
      %ge3A_1079 = vector.broadcast %or3A_1078 : vector<1x512xi16> to vector<1024x512xi16>
      %ge3A_1080 = arith.cmpi sge, %convert_element_type3A_32, %ge3A_1079 : vector<1024x512xi16>
      %and3A_1081 = arith.andi %eq3A_691, %ge3A_1080 : vector<1024x512xi1>
      %jit3A_1082 = arith.constant 1 : i16
      %jit3A_1083 = arith.constant 0 : i16
      %broadcast_in_dim3A_1084 = vector.broadcast %jit3A_1082 : i16 to vector<1024x512xi16>
      %broadcast_in_dim3A_1085 = vector.broadcast %jit3A_1083 : i16 to vector<1024x512xi16>
      %select_n3A_1086 = arith.select %and3A_1081, %broadcast_in_dim3A_1084, %broadcast_in_dim3A_1085 : vector<1024x512xi1>, vector<1024x512xi16>
      %slice3A_1087 = vector.extract_strided_slice %select_n3A_1086 {offsets = [0, 0], sizes = [512, 512], strides = [1, 1]} : vector<1024x512xi16> to vector<512x512xi16>
      %slice3A_1088 = vector.extract_strided_slice %select_n3A_1086 {offsets = [512, 0], sizes = [512, 512], strides = [1, 1]} : vector<1024x512xi16> to vector<512x512xi16>
      %add3A_1089 = arith.addi %slice3A_1087, %slice3A_1088 : vector<512x512xi16>
      %slice3A_1090 = vector.extract_strided_slice %add3A_1089 {offsets = [0, 0], sizes = [256, 512], strides = [1, 1]} : vector<512x512xi16> to vector<256x512xi16>
      %slice3A_1091 = vector.extract_strided_slice %add3A_1089 {offsets = [256, 0], sizes = [256, 512], strides = [1, 1]} : vector<512x512xi16> to vector<256x512xi16>
      %add3A_1092 = arith.addi %slice3A_1090, %slice3A_1091 : vector<256x512xi16>
      %slice3A_1093 = vector.extract_strided_slice %add3A_1092 {offsets = [0, 0], sizes = [128, 512], strides = [1, 1]} : vector<256x512xi16> to vector<128x512xi16>
      %slice3A_1094 = vector.extract_strided_slice %add3A_1092 {offsets = [128, 0], sizes = [128, 512], strides = [1, 1]} : vector<256x512xi16> to vector<128x512xi16>
      %add3A_1095 = arith.addi %slice3A_1093, %slice3A_1094 : vector<128x512xi16>
      %slice3A_1096 = vector.extract_strided_slice %add3A_1095 {offsets = [0, 0], sizes = [64, 512], strides = [1, 1]} : vector<128x512xi16> to vector<64x512xi16>
      %slice3A_1097 = vector.extract_strided_slice %add3A_1095 {offsets = [64, 0], sizes = [64, 512], strides = [1, 1]} : vector<128x512xi16> to vector<64x512xi16>
      %add3A_1098 = arith.addi %slice3A_1096, %slice3A_1097 : vector<64x512xi16>
      %slice3A_1099 = vector.extract_strided_slice %add3A_1098 {offsets = [0, 0], sizes = [32, 512], strides = [1, 1]} : vector<64x512xi16> to vector<32x512xi16>
      %slice3A_1100 = vector.extract_strided_slice %add3A_1098 {offsets = [32, 0], sizes = [32, 512], strides = [1, 1]} : vector<64x512xi16> to vector<32x512xi16>
      %add3A_1101 = arith.addi %slice3A_1099, %slice3A_1100 : vector<32x512xi16>
      %slice3A_1102 = vector.extract_strided_slice %add3A_1101 {offsets = [0, 0], sizes = [16, 512], strides = [1, 1]} : vector<32x512xi16> to vector<16x512xi16>
      %slice3A_1103 = vector.extract_strided_slice %add3A_1101 {offsets = [16, 0], sizes = [16, 512], strides = [1, 1]} : vector<32x512xi16> to vector<16x512xi16>
      %add3A_1104 = arith.addi %slice3A_1102, %slice3A_1103 : vector<16x512xi16>
      %slice3A_1105 = vector.extract_strided_slice %add3A_1104 {offsets = [0, 0], sizes = [8, 512], strides = [1, 1]} : vector<16x512xi16> to vector<8x512xi16>
      %slice3A_1106 = vector.extract_strided_slice %add3A_1104 {offsets = [8, 0], sizes = [8, 512], strides = [1, 1]} : vector<16x512xi16> to vector<8x512xi16>
      %add3A_1107 = arith.addi %slice3A_1105, %slice3A_1106 : vector<8x512xi16>
      %slice3A_1108 = vector.extract_strided_slice %add3A_1107 {offsets = [0, 0], sizes = [4, 512], strides = [1, 1]} : vector<8x512xi16> to vector<4x512xi16>
      %slice3A_1109 = vector.extract_strided_slice %add3A_1107 {offsets = [4, 0], sizes = [4, 512], strides = [1, 1]} : vector<8x512xi16> to vector<4x512xi16>
      %add3A_1110 = arith.addi %slice3A_1108, %slice3A_1109 : vector<4x512xi16>
      %slice3A_1111 = vector.extract_strided_slice %add3A_1110 {offsets = [0, 0], sizes = [2, 512], strides = [1, 1]} : vector<4x512xi16> to vector<2x512xi16>
      %slice3A_1112 = vector.extract_strided_slice %add3A_1110 {offsets = [2, 0], sizes = [2, 512], strides = [1, 1]} : vector<4x512xi16> to vector<2x512xi16>
      %add3A_1113 = arith.addi %slice3A_1111, %slice3A_1112 : vector<2x512xi16>
      %slice3A_1114 = vector.extract_strided_slice %add3A_1113 {offsets = [0, 0], sizes = [1, 512], strides = [1, 1]} : vector<2x512xi16> to vector<1x512xi16>
      %slice3A_1115 = vector.extract_strided_slice %add3A_1113 {offsets = [1, 0], sizes = [1, 512], strides = [1, 1]} : vector<2x512xi16> to vector<1x512xi16>
      %add3A_1116 = arith.addi %slice3A_1114, %slice3A_1115 : vector<1x512xi16>
      %ge3A_1117 = arith.cmpi sge, %add3A_1116, %sub3A_729 : vector<1x512xi16>
      %select_n3A_1118 = arith.select %ge3A_1117, %or3A_1078, %select_n3A_1075 : vector<1x512xi1>, vector<1x512xi16>
      %or3A_1119 = arith.constant 64 : i16
      %or3A_1120 = vector.broadcast %or3A_1119 : i16 to vector<1x512xi16>
      %or3A_1121 = arith.ori %select_n3A_1118, %or3A_1120 : vector<1x512xi16>
      %ge3A_1122 = vector.broadcast %or3A_1121 : vector<1x512xi16> to vector<1024x512xi16>
      %ge3A_1123 = arith.cmpi sge, %convert_element_type3A_32, %ge3A_1122 : vector<1024x512xi16>
      %and3A_1124 = arith.andi %eq3A_691, %ge3A_1123 : vector<1024x512xi1>
      %jit3A_1125 = arith.constant 1 : i16
      %jit3A_1126 = arith.constant 0 : i16
      %broadcast_in_dim3A_1127 = vector.broadcast %jit3A_1125 : i16 to vector<1024x512xi16>
      %broadcast_in_dim3A_1128 = vector.broadcast %jit3A_1126 : i16 to vector<1024x512xi16>
      %select_n3A_1129 = arith.select %and3A_1124, %broadcast_in_dim3A_1127, %broadcast_in_dim3A_1128 : vector<1024x512xi1>, vector<1024x512xi16>
      %slice3A_1130 = vector.extract_strided_slice %select_n3A_1129 {offsets = [0, 0], sizes = [512, 512], strides = [1, 1]} : vector<1024x512xi16> to vector<512x512xi16>
      %slice3A_1131 = vector.extract_strided_slice %select_n3A_1129 {offsets = [512, 0], sizes = [512, 512], strides = [1, 1]} : vector<1024x512xi16> to vector<512x512xi16>
      %add3A_1132 = arith.addi %slice3A_1130, %slice3A_1131 : vector<512x512xi16>
      %slice3A_1133 = vector.extract_strided_slice %add3A_1132 {offsets = [0, 0], sizes = [256, 512], strides = [1, 1]} : vector<512x512xi16> to vector<256x512xi16>
      %slice3A_1134 = vector.extract_strided_slice %add3A_1132 {offsets = [256, 0], sizes = [256, 512], strides = [1, 1]} : vector<512x512xi16> to vector<256x512xi16>
      %add3A_1135 = arith.addi %slice3A_1133, %slice3A_1134 : vector<256x512xi16>
      %slice3A_1136 = vector.extract_strided_slice %add3A_1135 {offsets = [0, 0], sizes = [128, 512], strides = [1, 1]} : vector<256x512xi16> to vector<128x512xi16>
      %slice3A_1137 = vector.extract_strided_slice %add3A_1135 {offsets = [128, 0], sizes = [128, 512], strides = [1, 1]} : vector<256x512xi16> to vector<128x512xi16>
      %add3A_1138 = arith.addi %slice3A_1136, %slice3A_1137 : vector<128x512xi16>
      %slice3A_1139 = vector.extract_strided_slice %add3A_1138 {offsets = [0, 0], sizes = [64, 512], strides = [1, 1]} : vector<128x512xi16> to vector<64x512xi16>
      %slice3A_1140 = vector.extract_strided_slice %add3A_1138 {offsets = [64, 0], sizes = [64, 512], strides = [1, 1]} : vector<128x512xi16> to vector<64x512xi16>
      %add3A_1141 = arith.addi %slice3A_1139, %slice3A_1140 : vector<64x512xi16>
      %slice3A_1142 = vector.extract_strided_slice %add3A_1141 {offsets = [0, 0], sizes = [32, 512], strides = [1, 1]} : vector<64x512xi16> to vector<32x512xi16>
      %slice3A_1143 = vector.extract_strided_slice %add3A_1141 {offsets = [32, 0], sizes = [32, 512], strides = [1, 1]} : vector<64x512xi16> to vector<32x512xi16>
      %add3A_1144 = arith.addi %slice3A_1142, %slice3A_1143 : vector<32x512xi16>
      %slice3A_1145 = vector.extract_strided_slice %add3A_1144 {offsets = [0, 0], sizes = [16, 512], strides = [1, 1]} : vector<32x512xi16> to vector<16x512xi16>
      %slice3A_1146 = vector.extract_strided_slice %add3A_1144 {offsets = [16, 0], sizes = [16, 512], strides = [1, 1]} : vector<32x512xi16> to vector<16x512xi16>
      %add3A_1147 = arith.addi %slice3A_1145, %slice3A_1146 : vector<16x512xi16>
      %slice3A_1148 = vector.extract_strided_slice %add3A_1147 {offsets = [0, 0], sizes = [8, 512], strides = [1, 1]} : vector<16x512xi16> to vector<8x512xi16>
      %slice3A_1149 = vector.extract_strided_slice %add3A_1147 {offsets = [8, 0], sizes = [8, 512], strides = [1, 1]} : vector<16x512xi16> to vector<8x512xi16>
      %add3A_1150 = arith.addi %slice3A_1148, %slice3A_1149 : vector<8x512xi16>
      %slice3A_1151 = vector.extract_strided_slice %add3A_1150 {offsets = [0, 0], sizes = [4, 512], strides = [1, 1]} : vector<8x512xi16> to vector<4x512xi16>
      %slice3A_1152 = vector.extract_strided_slice %add3A_1150 {offsets = [4, 0], sizes = [4, 512], strides = [1, 1]} : vector<8x512xi16> to vector<4x512xi16>
      %add3A_1153 = arith.addi %slice3A_1151, %slice3A_1152 : vector<4x512xi16>
      %slice3A_1154 = vector.extract_strided_slice %add3A_1153 {offsets = [0, 0], sizes = [2, 512], strides = [1, 1]} : vector<4x512xi16> to vector<2x512xi16>
      %slice3A_1155 = vector.extract_strided_slice %add3A_1153 {offsets = [2, 0], sizes = [2, 512], strides = [1, 1]} : vector<4x512xi16> to vector<2x512xi16>
      %add3A_1156 = arith.addi %slice3A_1154, %slice3A_1155 : vector<2x512xi16>
      %slice3A_1157 = vector.extract_strided_slice %add3A_1156 {offsets = [0, 0], sizes = [1, 512], strides = [1, 1]} : vector<2x512xi16> to vector<1x512xi16>
      %slice3A_1158 = vector.extract_strided_slice %add3A_1156 {offsets = [1, 0], sizes = [1, 512], strides = [1, 1]} : vector<2x512xi16> to vector<1x512xi16>
      %add3A_1159 = arith.addi %slice3A_1157, %slice3A_1158 : vector<1x512xi16>
      %ge3A_1160 = arith.cmpi sge, %add3A_1159, %sub3A_729 : vector<1x512xi16>
      %select_n3A_1161 = arith.select %ge3A_1160, %or3A_1121, %select_n3A_1118 : vector<1x512xi1>, vector<1x512xi16>
      %or3A_1162 = arith.constant 32 : i16
      %or3A_1163 = vector.broadcast %or3A_1162 : i16 to vector<1x512xi16>
      %or3A_1164 = arith.ori %select_n3A_1161, %or3A_1163 : vector<1x512xi16>
      %ge3A_1165 = vector.broadcast %or3A_1164 : vector<1x512xi16> to vector<1024x512xi16>
      %ge3A_1166 = arith.cmpi sge, %convert_element_type3A_32, %ge3A_1165 : vector<1024x512xi16>
      %and3A_1167 = arith.andi %eq3A_691, %ge3A_1166 : vector<1024x512xi1>
      %jit3A_1168 = arith.constant 1 : i16
      %jit3A_1169 = arith.constant 0 : i16
      %broadcast_in_dim3A_1170 = vector.broadcast %jit3A_1168 : i16 to vector<1024x512xi16>
      %broadcast_in_dim3A_1171 = vector.broadcast %jit3A_1169 : i16 to vector<1024x512xi16>
      %select_n3A_1172 = arith.select %and3A_1167, %broadcast_in_dim3A_1170, %broadcast_in_dim3A_1171 : vector<1024x512xi1>, vector<1024x512xi16>
      %slice3A_1173 = vector.extract_strided_slice %select_n3A_1172 {offsets = [0, 0], sizes = [512, 512], strides = [1, 1]} : vector<1024x512xi16> to vector<512x512xi16>
      %slice3A_1174 = vector.extract_strided_slice %select_n3A_1172 {offsets = [512, 0], sizes = [512, 512], strides = [1, 1]} : vector<1024x512xi16> to vector<512x512xi16>
      %add3A_1175 = arith.addi %slice3A_1173, %slice3A_1174 : vector<512x512xi16>
      %slice3A_1176 = vector.extract_strided_slice %add3A_1175 {offsets = [0, 0], sizes = [256, 512], strides = [1, 1]} : vector<512x512xi16> to vector<256x512xi16>
      %slice3A_1177 = vector.extract_strided_slice %add3A_1175 {offsets = [256, 0], sizes = [256, 512], strides = [1, 1]} : vector<512x512xi16> to vector<256x512xi16>
      %add3A_1178 = arith.addi %slice3A_1176, %slice3A_1177 : vector<256x512xi16>
      %slice3A_1179 = vector.extract_strided_slice %add3A_1178 {offsets = [0, 0], sizes = [128, 512], strides = [1, 1]} : vector<256x512xi16> to vector<128x512xi16>
      %slice3A_1180 = vector.extract_strided_slice %add3A_1178 {offsets = [128, 0], sizes = [128, 512], strides = [1, 1]} : vector<256x512xi16> to vector<128x512xi16>
      %add3A_1181 = arith.addi %slice3A_1179, %slice3A_1180 : vector<128x512xi16>
      %slice3A_1182 = vector.extract_strided_slice %add3A_1181 {offsets = [0, 0], sizes = [64, 512], strides = [1, 1]} : vector<128x512xi16> to vector<64x512xi16>
      %slice3A_1183 = vector.extract_strided_slice %add3A_1181 {offsets = [64, 0], sizes = [64, 512], strides = [1, 1]} : vector<128x512xi16> to vector<64x512xi16>
      %add3A_1184 = arith.addi %slice3A_1182, %slice3A_1183 : vector<64x512xi16>
      %slice3A_1185 = vector.extract_strided_slice %add3A_1184 {offsets = [0, 0], sizes = [32, 512], strides = [1, 1]} : vector<64x512xi16> to vector<32x512xi16>
      %slice3A_1186 = vector.extract_strided_slice %add3A_1184 {offsets = [32, 0], sizes = [32, 512], strides = [1, 1]} : vector<64x512xi16> to vector<32x512xi16>
      %add3A_1187 = arith.addi %slice3A_1185, %slice3A_1186 : vector<32x512xi16>
      %slice3A_1188 = vector.extract_strided_slice %add3A_1187 {offsets = [0, 0], sizes = [16, 512], strides = [1, 1]} : vector<32x512xi16> to vector<16x512xi16>
      %slice3A_1189 = vector.extract_strided_slice %add3A_1187 {offsets = [16, 0], sizes = [16, 512], strides = [1, 1]} : vector<32x512xi16> to vector<16x512xi16>
      %add3A_1190 = arith.addi %slice3A_1188, %slice3A_1189 : vector<16x512xi16>
      %slice3A_1191 = vector.extract_strided_slice %add3A_1190 {offsets = [0, 0], sizes = [8, 512], strides = [1, 1]} : vector<16x512xi16> to vector<8x512xi16>
      %slice3A_1192 = vector.extract_strided_slice %add3A_1190 {offsets = [8, 0], sizes = [8, 512], strides = [1, 1]} : vector<16x512xi16> to vector<8x512xi16>
      %add3A_1193 = arith.addi %slice3A_1191, %slice3A_1192 : vector<8x512xi16>
      %slice3A_1194 = vector.extract_strided_slice %add3A_1193 {offsets = [0, 0], sizes = [4, 512], strides = [1, 1]} : vector<8x512xi16> to vector<4x512xi16>
      %slice3A_1195 = vector.extract_strided_slice %add3A_1193 {offsets = [4, 0], sizes = [4, 512], strides = [1, 1]} : vector<8x512xi16> to vector<4x512xi16>
      %add3A_1196 = arith.addi %slice3A_1194, %slice3A_1195 : vector<4x512xi16>
      %slice3A_1197 = vector.extract_strided_slice %add3A_1196 {offsets = [0, 0], sizes = [2, 512], strides = [1, 1]} : vector<4x512xi16> to vector<2x512xi16>
      %slice3A_1198 = vector.extract_strided_slice %add3A_1196 {offsets = [2, 0], sizes = [2, 512], strides = [1, 1]} : vector<4x512xi16> to vector<2x512xi16>
      %add3A_1199 = arith.addi %slice3A_1197, %slice3A_1198 : vector<2x512xi16>
      %slice3A_1200 = vector.extract_strided_slice %add3A_1199 {offsets = [0, 0], sizes = [1, 512], strides = [1, 1]} : vector<2x512xi16> to vector<1x512xi16>
      %slice3A_1201 = vector.extract_strided_slice %add3A_1199 {offsets = [1, 0], sizes = [1, 512], strides = [1, 1]} : vector<2x512xi16> to vector<1x512xi16>
      %add3A_1202 = arith.addi %slice3A_1200, %slice3A_1201 : vector<1x512xi16>
      %ge3A_1203 = arith.cmpi sge, %add3A_1202, %sub3A_729 : vector<1x512xi16>
      %select_n3A_1204 = arith.select %ge3A_1203, %or3A_1164, %select_n3A_1161 : vector<1x512xi1>, vector<1x512xi16>
      %or3A_1205 = arith.constant 16 : i16
      %or3A_1206 = vector.broadcast %or3A_1205 : i16 to vector<1x512xi16>
      %or3A_1207 = arith.ori %select_n3A_1204, %or3A_1206 : vector<1x512xi16>
      %ge3A_1208 = vector.broadcast %or3A_1207 : vector<1x512xi16> to vector<1024x512xi16>
      %ge3A_1209 = arith.cmpi sge, %convert_element_type3A_32, %ge3A_1208 : vector<1024x512xi16>
      %and3A_1210 = arith.andi %eq3A_691, %ge3A_1209 : vector<1024x512xi1>
      %jit3A_1211 = arith.constant 1 : i16
      %jit3A_1212 = arith.constant 0 : i16
      %broadcast_in_dim3A_1213 = vector.broadcast %jit3A_1211 : i16 to vector<1024x512xi16>
      %broadcast_in_dim3A_1214 = vector.broadcast %jit3A_1212 : i16 to vector<1024x512xi16>
      %select_n3A_1215 = arith.select %and3A_1210, %broadcast_in_dim3A_1213, %broadcast_in_dim3A_1214 : vector<1024x512xi1>, vector<1024x512xi16>
      %slice3A_1216 = vector.extract_strided_slice %select_n3A_1215 {offsets = [0, 0], sizes = [512, 512], strides = [1, 1]} : vector<1024x512xi16> to vector<512x512xi16>
      %slice3A_1217 = vector.extract_strided_slice %select_n3A_1215 {offsets = [512, 0], sizes = [512, 512], strides = [1, 1]} : vector<1024x512xi16> to vector<512x512xi16>
      %add3A_1218 = arith.addi %slice3A_1216, %slice3A_1217 : vector<512x512xi16>
      %slice3A_1219 = vector.extract_strided_slice %add3A_1218 {offsets = [0, 0], sizes = [256, 512], strides = [1, 1]} : vector<512x512xi16> to vector<256x512xi16>
      %slice3A_1220 = vector.extract_strided_slice %add3A_1218 {offsets = [256, 0], sizes = [256, 512], strides = [1, 1]} : vector<512x512xi16> to vector<256x512xi16>
      %add3A_1221 = arith.addi %slice3A_1219, %slice3A_1220 : vector<256x512xi16>
      %slice3A_1222 = vector.extract_strided_slice %add3A_1221 {offsets = [0, 0], sizes = [128, 512], strides = [1, 1]} : vector<256x512xi16> to vector<128x512xi16>
      %slice3A_1223 = vector.extract_strided_slice %add3A_1221 {offsets = [128, 0], sizes = [128, 512], strides = [1, 1]} : vector<256x512xi16> to vector<128x512xi16>
      %add3A_1224 = arith.addi %slice3A_1222, %slice3A_1223 : vector<128x512xi16>
      %slice3A_1225 = vector.extract_strided_slice %add3A_1224 {offsets = [0, 0], sizes = [64, 512], strides = [1, 1]} : vector<128x512xi16> to vector<64x512xi16>
      %slice3A_1226 = vector.extract_strided_slice %add3A_1224 {offsets = [64, 0], sizes = [64, 512], strides = [1, 1]} : vector<128x512xi16> to vector<64x512xi16>
      %add3A_1227 = arith.addi %slice3A_1225, %slice3A_1226 : vector<64x512xi16>
      %slice3A_1228 = vector.extract_strided_slice %add3A_1227 {offsets = [0, 0], sizes = [32, 512], strides = [1, 1]} : vector<64x512xi16> to vector<32x512xi16>
      %slice3A_1229 = vector.extract_strided_slice %add3A_1227 {offsets = [32, 0], sizes = [32, 512], strides = [1, 1]} : vector<64x512xi16> to vector<32x512xi16>
      %add3A_1230 = arith.addi %slice3A_1228, %slice3A_1229 : vector<32x512xi16>
      %slice3A_1231 = vector.extract_strided_slice %add3A_1230 {offsets = [0, 0], sizes = [16, 512], strides = [1, 1]} : vector<32x512xi16> to vector<16x512xi16>
      %slice3A_1232 = vector.extract_strided_slice %add3A_1230 {offsets = [16, 0], sizes = [16, 512], strides = [1, 1]} : vector<32x512xi16> to vector<16x512xi16>
      %add3A_1233 = arith.addi %slice3A_1231, %slice3A_1232 : vector<16x512xi16>
      %slice3A_1234 = vector.extract_strided_slice %add3A_1233 {offsets = [0, 0], sizes = [8, 512], strides = [1, 1]} : vector<16x512xi16> to vector<8x512xi16>
      %slice3A_1235 = vector.extract_strided_slice %add3A_1233 {offsets = [8, 0], sizes = [8, 512], strides = [1, 1]} : vector<16x512xi16> to vector<8x512xi16>
      %add3A_1236 = arith.addi %slice3A_1234, %slice3A_1235 : vector<8x512xi16>
      %slice3A_1237 = vector.extract_strided_slice %add3A_1236 {offsets = [0, 0], sizes = [4, 512], strides = [1, 1]} : vector<8x512xi16> to vector<4x512xi16>
      %slice3A_1238 = vector.extract_strided_slice %add3A_1236 {offsets = [4, 0], sizes = [4, 512], strides = [1, 1]} : vector<8x512xi16> to vector<4x512xi16>
      %add3A_1239 = arith.addi %slice3A_1237, %slice3A_1238 : vector<4x512xi16>
      %slice3A_1240 = vector.extract_strided_slice %add3A_1239 {offsets = [0, 0], sizes = [2, 512], strides = [1, 1]} : vector<4x512xi16> to vector<2x512xi16>
      %slice3A_1241 = vector.extract_strided_slice %add3A_1239 {offsets = [2, 0], sizes = [2, 512], strides = [1, 1]} : vector<4x512xi16> to vector<2x512xi16>
      %add3A_1242 = arith.addi %slice3A_1240, %slice3A_1241 : vector<2x512xi16>
      %slice3A_1243 = vector.extract_strided_slice %add3A_1242 {offsets = [0, 0], sizes = [1, 512], strides = [1, 1]} : vector<2x512xi16> to vector<1x512xi16>
      %slice3A_1244 = vector.extract_strided_slice %add3A_1242 {offsets = [1, 0], sizes = [1, 512], strides = [1, 1]} : vector<2x512xi16> to vector<1x512xi16>
      %add3A_1245 = arith.addi %slice3A_1243, %slice3A_1244 : vector<1x512xi16>
      %ge3A_1246 = arith.cmpi sge, %add3A_1245, %sub3A_729 : vector<1x512xi16>
      %select_n3A_1247 = arith.select %ge3A_1246, %or3A_1207, %select_n3A_1204 : vector<1x512xi1>, vector<1x512xi16>
      %or3A_1248 = arith.constant 8 : i16
      %or3A_1249 = vector.broadcast %or3A_1248 : i16 to vector<1x512xi16>
      %or3A_1250 = arith.ori %select_n3A_1247, %or3A_1249 : vector<1x512xi16>
      %ge3A_1251 = vector.broadcast %or3A_1250 : vector<1x512xi16> to vector<1024x512xi16>
      %ge3A_1252 = arith.cmpi sge, %convert_element_type3A_32, %ge3A_1251 : vector<1024x512xi16>
      %and3A_1253 = arith.andi %eq3A_691, %ge3A_1252 : vector<1024x512xi1>
      %jit3A_1254 = arith.constant 1 : i16
      %jit3A_1255 = arith.constant 0 : i16
      %broadcast_in_dim3A_1256 = vector.broadcast %jit3A_1254 : i16 to vector<1024x512xi16>
      %broadcast_in_dim3A_1257 = vector.broadcast %jit3A_1255 : i16 to vector<1024x512xi16>
      %select_n3A_1258 = arith.select %and3A_1253, %broadcast_in_dim3A_1256, %broadcast_in_dim3A_1257 : vector<1024x512xi1>, vector<1024x512xi16>
      %slice3A_1259 = vector.extract_strided_slice %select_n3A_1258 {offsets = [0, 0], sizes = [512, 512], strides = [1, 1]} : vector<1024x512xi16> to vector<512x512xi16>
      %slice3A_1260 = vector.extract_strided_slice %select_n3A_1258 {offsets = [512, 0], sizes = [512, 512], strides = [1, 1]} : vector<1024x512xi16> to vector<512x512xi16>
      %add3A_1261 = arith.addi %slice3A_1259, %slice3A_1260 : vector<512x512xi16>
      %slice3A_1262 = vector.extract_strided_slice %add3A_1261 {offsets = [0, 0], sizes = [256, 512], strides = [1, 1]} : vector<512x512xi16> to vector<256x512xi16>
      %slice3A_1263 = vector.extract_strided_slice %add3A_1261 {offsets = [256, 0], sizes = [256, 512], strides = [1, 1]} : vector<512x512xi16> to vector<256x512xi16>
      %add3A_1264 = arith.addi %slice3A_1262, %slice3A_1263 : vector<256x512xi16>
      %slice3A_1265 = vector.extract_strided_slice %add3A_1264 {offsets = [0, 0], sizes = [128, 512], strides = [1, 1]} : vector<256x512xi16> to vector<128x512xi16>
      %slice3A_1266 = vector.extract_strided_slice %add3A_1264 {offsets = [128, 0], sizes = [128, 512], strides = [1, 1]} : vector<256x512xi16> to vector<128x512xi16>
      %add3A_1267 = arith.addi %slice3A_1265, %slice3A_1266 : vector<128x512xi16>
      %slice3A_1268 = vector.extract_strided_slice %add3A_1267 {offsets = [0, 0], sizes = [64, 512], strides = [1, 1]} : vector<128x512xi16> to vector<64x512xi16>
      %slice3A_1269 = vector.extract_strided_slice %add3A_1267 {offsets = [64, 0], sizes = [64, 512], strides = [1, 1]} : vector<128x512xi16> to vector<64x512xi16>
      %add3A_1270 = arith.addi %slice3A_1268, %slice3A_1269 : vector<64x512xi16>
      %slice3A_1271 = vector.extract_strided_slice %add3A_1270 {offsets = [0, 0], sizes = [32, 512], strides = [1, 1]} : vector<64x512xi16> to vector<32x512xi16>
      %slice3A_1272 = vector.extract_strided_slice %add3A_1270 {offsets = [32, 0], sizes = [32, 512], strides = [1, 1]} : vector<64x512xi16> to vector<32x512xi16>
      %add3A_1273 = arith.addi %slice3A_1271, %slice3A_1272 : vector<32x512xi16>
      %slice3A_1274 = vector.extract_strided_slice %add3A_1273 {offsets = [0, 0], sizes = [16, 512], strides = [1, 1]} : vector<32x512xi16> to vector<16x512xi16>
      %slice3A_1275 = vector.extract_strided_slice %add3A_1273 {offsets = [16, 0], sizes = [16, 512], strides = [1, 1]} : vector<32x512xi16> to vector<16x512xi16>
      %add3A_1276 = arith.addi %slice3A_1274, %slice3A_1275 : vector<16x512xi16>
      %slice3A_1277 = vector.extract_strided_slice %add3A_1276 {offsets = [0, 0], sizes = [8, 512], strides = [1, 1]} : vector<16x512xi16> to vector<8x512xi16>
      %slice3A_1278 = vector.extract_strided_slice %add3A_1276 {offsets = [8, 0], sizes = [8, 512], strides = [1, 1]} : vector<16x512xi16> to vector<8x512xi16>
      %add3A_1279 = arith.addi %slice3A_1277, %slice3A_1278 : vector<8x512xi16>
      %slice3A_1280 = vector.extract_strided_slice %add3A_1279 {offsets = [0, 0], sizes = [4, 512], strides = [1, 1]} : vector<8x512xi16> to vector<4x512xi16>
      %slice3A_1281 = vector.extract_strided_slice %add3A_1279 {offsets = [4, 0], sizes = [4, 512], strides = [1, 1]} : vector<8x512xi16> to vector<4x512xi16>
      %add3A_1282 = arith.addi %slice3A_1280, %slice3A_1281 : vector<4x512xi16>
      %slice3A_1283 = vector.extract_strided_slice %add3A_1282 {offsets = [0, 0], sizes = [2, 512], strides = [1, 1]} : vector<4x512xi16> to vector<2x512xi16>
      %slice3A_1284 = vector.extract_strided_slice %add3A_1282 {offsets = [2, 0], sizes = [2, 512], strides = [1, 1]} : vector<4x512xi16> to vector<2x512xi16>
      %add3A_1285 = arith.addi %slice3A_1283, %slice3A_1284 : vector<2x512xi16>
      %slice3A_1286 = vector.extract_strided_slice %add3A_1285 {offsets = [0, 0], sizes = [1, 512], strides = [1, 1]} : vector<2x512xi16> to vector<1x512xi16>
      %slice3A_1287 = vector.extract_strided_slice %add3A_1285 {offsets = [1, 0], sizes = [1, 512], strides = [1, 1]} : vector<2x512xi16> to vector<1x512xi16>
      %add3A_1288 = arith.addi %slice3A_1286, %slice3A_1287 : vector<1x512xi16>
      %ge3A_1289 = arith.cmpi sge, %add3A_1288, %sub3A_729 : vector<1x512xi16>
      %select_n3A_1290 = arith.select %ge3A_1289, %or3A_1250, %select_n3A_1247 : vector<1x512xi1>, vector<1x512xi16>
      %or3A_1291 = arith.constant 4 : i16
      %or3A_1292 = vector.broadcast %or3A_1291 : i16 to vector<1x512xi16>
      %or3A_1293 = arith.ori %select_n3A_1290, %or3A_1292 : vector<1x512xi16>
      %ge3A_1294 = vector.broadcast %or3A_1293 : vector<1x512xi16> to vector<1024x512xi16>
      %ge3A_1295 = arith.cmpi sge, %convert_element_type3A_32, %ge3A_1294 : vector<1024x512xi16>
      %and3A_1296 = arith.andi %eq3A_691, %ge3A_1295 : vector<1024x512xi1>
      %jit3A_1297 = arith.constant 1 : i16
      %jit3A_1298 = arith.constant 0 : i16
      %broadcast_in_dim3A_1299 = vector.broadcast %jit3A_1297 : i16 to vector<1024x512xi16>
      %broadcast_in_dim3A_1300 = vector.broadcast %jit3A_1298 : i16 to vector<1024x512xi16>
      %select_n3A_1301 = arith.select %and3A_1296, %broadcast_in_dim3A_1299, %broadcast_in_dim3A_1300 : vector<1024x512xi1>, vector<1024x512xi16>
      %slice3A_1302 = vector.extract_strided_slice %select_n3A_1301 {offsets = [0, 0], sizes = [512, 512], strides = [1, 1]} : vector<1024x512xi16> to vector<512x512xi16>
      %slice3A_1303 = vector.extract_strided_slice %select_n3A_1301 {offsets = [512, 0], sizes = [512, 512], strides = [1, 1]} : vector<1024x512xi16> to vector<512x512xi16>
      %add3A_1304 = arith.addi %slice3A_1302, %slice3A_1303 : vector<512x512xi16>
      %slice3A_1305 = vector.extract_strided_slice %add3A_1304 {offsets = [0, 0], sizes = [256, 512], strides = [1, 1]} : vector<512x512xi16> to vector<256x512xi16>
      %slice3A_1306 = vector.extract_strided_slice %add3A_1304 {offsets = [256, 0], sizes = [256, 512], strides = [1, 1]} : vector<512x512xi16> to vector<256x512xi16>
      %add3A_1307 = arith.addi %slice3A_1305, %slice3A_1306 : vector<256x512xi16>
      %slice3A_1308 = vector.extract_strided_slice %add3A_1307 {offsets = [0, 0], sizes = [128, 512], strides = [1, 1]} : vector<256x512xi16> to vector<128x512xi16>
      %slice3A_1309 = vector.extract_strided_slice %add3A_1307 {offsets = [128, 0], sizes = [128, 512], strides = [1, 1]} : vector<256x512xi16> to vector<128x512xi16>
      %add3A_1310 = arith.addi %slice3A_1308, %slice3A_1309 : vector<128x512xi16>
      %slice3A_1311 = vector.extract_strided_slice %add3A_1310 {offsets = [0, 0], sizes = [64, 512], strides = [1, 1]} : vector<128x512xi16> to vector<64x512xi16>
      %slice3A_1312 = vector.extract_strided_slice %add3A_1310 {offsets = [64, 0], sizes = [64, 512], strides = [1, 1]} : vector<128x512xi16> to vector<64x512xi16>
      %add3A_1313 = arith.addi %slice3A_1311, %slice3A_1312 : vector<64x512xi16>
      %slice3A_1314 = vector.extract_strided_slice %add3A_1313 {offsets = [0, 0], sizes = [32, 512], strides = [1, 1]} : vector<64x512xi16> to vector<32x512xi16>
      %slice3A_1315 = vector.extract_strided_slice %add3A_1313 {offsets = [32, 0], sizes = [32, 512], strides = [1, 1]} : vector<64x512xi16> to vector<32x512xi16>
      %add3A_1316 = arith.addi %slice3A_1314, %slice3A_1315 : vector<32x512xi16>
      %slice3A_1317 = vector.extract_strided_slice %add3A_1316 {offsets = [0, 0], sizes = [16, 512], strides = [1, 1]} : vector<32x512xi16> to vector<16x512xi16>
      %slice3A_1318 = vector.extract_strided_slice %add3A_1316 {offsets = [16, 0], sizes = [16, 512], strides = [1, 1]} : vector<32x512xi16> to vector<16x512xi16>
      %add3A_1319 = arith.addi %slice3A_1317, %slice3A_1318 : vector<16x512xi16>
      %slice3A_1320 = vector.extract_strided_slice %add3A_1319 {offsets = [0, 0], sizes = [8, 512], strides = [1, 1]} : vector<16x512xi16> to vector<8x512xi16>
      %slice3A_1321 = vector.extract_strided_slice %add3A_1319 {offsets = [8, 0], sizes = [8, 512], strides = [1, 1]} : vector<16x512xi16> to vector<8x512xi16>
      %add3A_1322 = arith.addi %slice3A_1320, %slice3A_1321 : vector<8x512xi16>
      %slice3A_1323 = vector.extract_strided_slice %add3A_1322 {offsets = [0, 0], sizes = [4, 512], strides = [1, 1]} : vector<8x512xi16> to vector<4x512xi16>
      %slice3A_1324 = vector.extract_strided_slice %add3A_1322 {offsets = [4, 0], sizes = [4, 512], strides = [1, 1]} : vector<8x512xi16> to vector<4x512xi16>
      %add3A_1325 = arith.addi %slice3A_1323, %slice3A_1324 : vector<4x512xi16>
      %slice3A_1326 = vector.extract_strided_slice %add3A_1325 {offsets = [0, 0], sizes = [2, 512], strides = [1, 1]} : vector<4x512xi16> to vector<2x512xi16>
      %slice3A_1327 = vector.extract_strided_slice %add3A_1325 {offsets = [2, 0], sizes = [2, 512], strides = [1, 1]} : vector<4x512xi16> to vector<2x512xi16>
      %add3A_1328 = arith.addi %slice3A_1326, %slice3A_1327 : vector<2x512xi16>
      %slice3A_1329 = vector.extract_strided_slice %add3A_1328 {offsets = [0, 0], sizes = [1, 512], strides = [1, 1]} : vector<2x512xi16> to vector<1x512xi16>
      %slice3A_1330 = vector.extract_strided_slice %add3A_1328 {offsets = [1, 0], sizes = [1, 512], strides = [1, 1]} : vector<2x512xi16> to vector<1x512xi16>
      %add3A_1331 = arith.addi %slice3A_1329, %slice3A_1330 : vector<1x512xi16>
      %ge3A_1332 = arith.cmpi sge, %add3A_1331, %sub3A_729 : vector<1x512xi16>
      %select_n3A_1333 = arith.select %ge3A_1332, %or3A_1293, %select_n3A_1290 : vector<1x512xi1>, vector<1x512xi16>
      %or3A_1334 = arith.constant 2 : i16
      %or3A_1335 = vector.broadcast %or3A_1334 : i16 to vector<1x512xi16>
      %or3A_1336 = arith.ori %select_n3A_1333, %or3A_1335 : vector<1x512xi16>
      %ge3A_1337 = vector.broadcast %or3A_1336 : vector<1x512xi16> to vector<1024x512xi16>
      %ge3A_1338 = arith.cmpi sge, %convert_element_type3A_32, %ge3A_1337 : vector<1024x512xi16>
      %and3A_1339 = arith.andi %eq3A_691, %ge3A_1338 : vector<1024x512xi1>
      %jit3A_1340 = arith.constant 1 : i16
      %jit3A_1341 = arith.constant 0 : i16
      %broadcast_in_dim3A_1342 = vector.broadcast %jit3A_1340 : i16 to vector<1024x512xi16>
      %broadcast_in_dim3A_1343 = vector.broadcast %jit3A_1341 : i16 to vector<1024x512xi16>
      %select_n3A_1344 = arith.select %and3A_1339, %broadcast_in_dim3A_1342, %broadcast_in_dim3A_1343 : vector<1024x512xi1>, vector<1024x512xi16>
      %slice3A_1345 = vector.extract_strided_slice %select_n3A_1344 {offsets = [0, 0], sizes = [512, 512], strides = [1, 1]} : vector<1024x512xi16> to vector<512x512xi16>
      %slice3A_1346 = vector.extract_strided_slice %select_n3A_1344 {offsets = [512, 0], sizes = [512, 512], strides = [1, 1]} : vector<1024x512xi16> to vector<512x512xi16>
      %add3A_1347 = arith.addi %slice3A_1345, %slice3A_1346 : vector<512x512xi16>
      %slice3A_1348 = vector.extract_strided_slice %add3A_1347 {offsets = [0, 0], sizes = [256, 512], strides = [1, 1]} : vector<512x512xi16> to vector<256x512xi16>
      %slice3A_1349 = vector.extract_strided_slice %add3A_1347 {offsets = [256, 0], sizes = [256, 512], strides = [1, 1]} : vector<512x512xi16> to vector<256x512xi16>
      %add3A_1350 = arith.addi %slice3A_1348, %slice3A_1349 : vector<256x512xi16>
      %slice3A_1351 = vector.extract_strided_slice %add3A_1350 {offsets = [0, 0], sizes = [128, 512], strides = [1, 1]} : vector<256x512xi16> to vector<128x512xi16>
      %slice3A_1352 = vector.extract_strided_slice %add3A_1350 {offsets = [128, 0], sizes = [128, 512], strides = [1, 1]} : vector<256x512xi16> to vector<128x512xi16>
      %add3A_1353 = arith.addi %slice3A_1351, %slice3A_1352 : vector<128x512xi16>
      %slice3A_1354 = vector.extract_strided_slice %add3A_1353 {offsets = [0, 0], sizes = [64, 512], strides = [1, 1]} : vector<128x512xi16> to vector<64x512xi16>
      %slice3A_1355 = vector.extract_strided_slice %add3A_1353 {offsets = [64, 0], sizes = [64, 512], strides = [1, 1]} : vector<128x512xi16> to vector<64x512xi16>
      %add3A_1356 = arith.addi %slice3A_1354, %slice3A_1355 : vector<64x512xi16>
      %slice3A_1357 = vector.extract_strided_slice %add3A_1356 {offsets = [0, 0], sizes = [32, 512], strides = [1, 1]} : vector<64x512xi16> to vector<32x512xi16>
      %slice3A_1358 = vector.extract_strided_slice %add3A_1356 {offsets = [32, 0], sizes = [32, 512], strides = [1, 1]} : vector<64x512xi16> to vector<32x512xi16>
      %add3A_1359 = arith.addi %slice3A_1357, %slice3A_1358 : vector<32x512xi16>
      %slice3A_1360 = vector.extract_strided_slice %add3A_1359 {offsets = [0, 0], sizes = [16, 512], strides = [1, 1]} : vector<32x512xi16> to vector<16x512xi16>
      %slice3A_1361 = vector.extract_strided_slice %add3A_1359 {offsets = [16, 0], sizes = [16, 512], strides = [1, 1]} : vector<32x512xi16> to vector<16x512xi16>
      %add3A_1362 = arith.addi %slice3A_1360, %slice3A_1361 : vector<16x512xi16>
      %slice3A_1363 = vector.extract_strided_slice %add3A_1362 {offsets = [0, 0], sizes = [8, 512], strides = [1, 1]} : vector<16x512xi16> to vector<8x512xi16>
      %slice3A_1364 = vector.extract_strided_slice %add3A_1362 {offsets = [8, 0], sizes = [8, 512], strides = [1, 1]} : vector<16x512xi16> to vector<8x512xi16>
      %add3A_1365 = arith.addi %slice3A_1363, %slice3A_1364 : vector<8x512xi16>
      %slice3A_1366 = vector.extract_strided_slice %add3A_1365 {offsets = [0, 0], sizes = [4, 512], strides = [1, 1]} : vector<8x512xi16> to vector<4x512xi16>
      %slice3A_1367 = vector.extract_strided_slice %add3A_1365 {offsets = [4, 0], sizes = [4, 512], strides = [1, 1]} : vector<8x512xi16> to vector<4x512xi16>
      %add3A_1368 = arith.addi %slice3A_1366, %slice3A_1367 : vector<4x512xi16>
      %slice3A_1369 = vector.extract_strided_slice %add3A_1368 {offsets = [0, 0], sizes = [2, 512], strides = [1, 1]} : vector<4x512xi16> to vector<2x512xi16>
      %slice3A_1370 = vector.extract_strided_slice %add3A_1368 {offsets = [2, 0], sizes = [2, 512], strides = [1, 1]} : vector<4x512xi16> to vector<2x512xi16>
      %add3A_1371 = arith.addi %slice3A_1369, %slice3A_1370 : vector<2x512xi16>
      %slice3A_1372 = vector.extract_strided_slice %add3A_1371 {offsets = [0, 0], sizes = [1, 512], strides = [1, 1]} : vector<2x512xi16> to vector<1x512xi16>
      %slice3A_1373 = vector.extract_strided_slice %add3A_1371 {offsets = [1, 0], sizes = [1, 512], strides = [1, 1]} : vector<2x512xi16> to vector<1x512xi16>
      %add3A_1374 = arith.addi %slice3A_1372, %slice3A_1373 : vector<1x512xi16>
      %ge3A_1375 = arith.cmpi sge, %add3A_1374, %sub3A_729 : vector<1x512xi16>
      %select_n3A_1376 = arith.select %ge3A_1375, %or3A_1336, %select_n3A_1333 : vector<1x512xi1>, vector<1x512xi16>
      %or3A_1377 = arith.constant 1 : i16
      %or3A_1378 = vector.broadcast %or3A_1377 : i16 to vector<1x512xi16>
      %or3A_1379 = arith.ori %select_n3A_1376, %or3A_1378 : vector<1x512xi16>
      %ge3A_1380 = vector.broadcast %or3A_1379 : vector<1x512xi16> to vector<1024x512xi16>
      %ge3A_1381 = arith.cmpi sge, %convert_element_type3A_32, %ge3A_1380 : vector<1024x512xi16>
      %and3A_1382 = arith.andi %eq3A_691, %ge3A_1381 : vector<1024x512xi1>
      %jit3A_1383 = arith.constant 1 : i16
      %jit3A_1384 = arith.constant 0 : i16
      %broadcast_in_dim3A_1385 = vector.broadcast %jit3A_1383 : i16 to vector<1024x512xi16>
      %broadcast_in_dim3A_1386 = vector.broadcast %jit3A_1384 : i16 to vector<1024x512xi16>
      %select_n3A_1387 = arith.select %and3A_1382, %broadcast_in_dim3A_1385, %broadcast_in_dim3A_1386 : vector<1024x512xi1>, vector<1024x512xi16>
      %slice3A_1388 = vector.extract_strided_slice %select_n3A_1387 {offsets = [0, 0], sizes = [512, 512], strides = [1, 1]} : vector<1024x512xi16> to vector<512x512xi16>
      %slice3A_1389 = vector.extract_strided_slice %select_n3A_1387 {offsets = [512, 0], sizes = [512, 512], strides = [1, 1]} : vector<1024x512xi16> to vector<512x512xi16>
      %add3A_1390 = arith.addi %slice3A_1388, %slice3A_1389 : vector<512x512xi16>
      %slice3A_1391 = vector.extract_strided_slice %add3A_1390 {offsets = [0, 0], sizes = [256, 512], strides = [1, 1]} : vector<512x512xi16> to vector<256x512xi16>
      %slice3A_1392 = vector.extract_strided_slice %add3A_1390 {offsets = [256, 0], sizes = [256, 512], strides = [1, 1]} : vector<512x512xi16> to vector<256x512xi16>
      %add3A_1393 = arith.addi %slice3A_1391, %slice3A_1392 : vector<256x512xi16>
      %slice3A_1394 = vector.extract_strided_slice %add3A_1393 {offsets = [0, 0], sizes = [128, 512], strides = [1, 1]} : vector<256x512xi16> to vector<128x512xi16>
      %slice3A_1395 = vector.extract_strided_slice %add3A_1393 {offsets = [128, 0], sizes = [128, 512], strides = [1, 1]} : vector<256x512xi16> to vector<128x512xi16>
      %add3A_1396 = arith.addi %slice3A_1394, %slice3A_1395 : vector<128x512xi16>
      %slice3A_1397 = vector.extract_strided_slice %add3A_1396 {offsets = [0, 0], sizes = [64, 512], strides = [1, 1]} : vector<128x512xi16> to vector<64x512xi16>
      %slice3A_1398 = vector.extract_strided_slice %add3A_1396 {offsets = [64, 0], sizes = [64, 512], strides = [1, 1]} : vector<128x512xi16> to vector<64x512xi16>
      %add3A_1399 = arith.addi %slice3A_1397, %slice3A_1398 : vector<64x512xi16>
      %slice3A_1400 = vector.extract_strided_slice %add3A_1399 {offsets = [0, 0], sizes = [32, 512], strides = [1, 1]} : vector<64x512xi16> to vector<32x512xi16>
      %slice3A_1401 = vector.extract_strided_slice %add3A_1399 {offsets = [32, 0], sizes = [32, 512], strides = [1, 1]} : vector<64x512xi16> to vector<32x512xi16>
      %add3A_1402 = arith.addi %slice3A_1400, %slice3A_1401 : vector<32x512xi16>
      %slice3A_1403 = vector.extract_strided_slice %add3A_1402 {offsets = [0, 0], sizes = [16, 512], strides = [1, 1]} : vector<32x512xi16> to vector<16x512xi16>
      %slice3A_1404 = vector.extract_strided_slice %add3A_1402 {offsets = [16, 0], sizes = [16, 512], strides = [1, 1]} : vector<32x512xi16> to vector<16x512xi16>
      %add3A_1405 = arith.addi %slice3A_1403, %slice3A_1404 : vector<16x512xi16>
      %slice3A_1406 = vector.extract_strided_slice %add3A_1405 {offsets = [0, 0], sizes = [8, 512], strides = [1, 1]} : vector<16x512xi16> to vector<8x512xi16>
      %slice3A_1407 = vector.extract_strided_slice %add3A_1405 {offsets = [8, 0], sizes = [8, 512], strides = [1, 1]} : vector<16x512xi16> to vector<8x512xi16>
      %add3A_1408 = arith.addi %slice3A_1406, %slice3A_1407 : vector<8x512xi16>
      %slice3A_1409 = vector.extract_strided_slice %add3A_1408 {offsets = [0, 0], sizes = [4, 512], strides = [1, 1]} : vector<8x512xi16> to vector<4x512xi16>
      %slice3A_1410 = vector.extract_strided_slice %add3A_1408 {offsets = [4, 0], sizes = [4, 512], strides = [1, 1]} : vector<8x512xi16> to vector<4x512xi16>
      %add3A_1411 = arith.addi %slice3A_1409, %slice3A_1410 : vector<4x512xi16>
      %slice3A_1412 = vector.extract_strided_slice %add3A_1411 {offsets = [0, 0], sizes = [2, 512], strides = [1, 1]} : vector<4x512xi16> to vector<2x512xi16>
      %slice3A_1413 = vector.extract_strided_slice %add3A_1411 {offsets = [2, 0], sizes = [2, 512], strides = [1, 1]} : vector<4x512xi16> to vector<2x512xi16>
      %add3A_1414 = arith.addi %slice3A_1412, %slice3A_1413 : vector<2x512xi16>
      %slice3A_1415 = vector.extract_strided_slice %add3A_1414 {offsets = [0, 0], sizes = [1, 512], strides = [1, 1]} : vector<2x512xi16> to vector<1x512xi16>
      %slice3A_1416 = vector.extract_strided_slice %add3A_1414 {offsets = [1, 0], sizes = [1, 512], strides = [1, 1]} : vector<2x512xi16> to vector<1x512xi16>
      %add3A_1417 = arith.addi %slice3A_1415, %slice3A_1416 : vector<1x512xi16>
      %ge3A_1418 = arith.cmpi sge, %add3A_1417, %sub3A_729 : vector<1x512xi16>
      %select_n3A_1419 = arith.select %ge3A_1418, %or3A_1379, %select_n3A_1376 : vector<1x512xi1>, vector<1x512xi16>
      %convert_element_type3A_1420 = arith.extsi %select_n3A_1419 : vector<1x512xi16> to vector<1x512xi32>
      %xor3A_1421 = arith.constant 32768 : i32
      %xor3A_1422 = vector.broadcast %xor3A_1421 : i32 to vector<1x512xi32>
      %xor3A_1423 = arith.xori %convert_element_type3A_1420, %xor3A_1422 : vector<1x512xi32>
      %and3A_1424 = arith.constant 65535 : i32
      %and3A_1425 = vector.broadcast %and3A_1424 : i32 to vector<1x512xi32>
      %and3A_1426 = arith.andi %xor3A_1423, %and3A_1425 : vector<1x512xi32>
      %convert_element_type3A_1427 = arith.extsi %select_n3A_689 : vector<1x512xi16> to vector<1x512xi32>
      %shift_left3A = arith.constant 16 : i32
      %shift_left3A_1428 = vector.broadcast %shift_left3A : i32 to vector<1x512xi32>
      %shift_left3A_1429 = arith.shli %convert_element_type3A_1427, %shift_left3A_1428 : vector<1x512xi32>
      %or3A_1430 = arith.ori %shift_left3A_1429, %and3A_1426 : vector<1x512xi32>
      %gt3A_1431 = vector.broadcast %or3A_1430 : vector<1x512xi32> to vector<1024x512xi32>
      %gt3A_1432 = arith.cmpi sgt, %bitcast_convert_type3A, %gt3A_1431 : vector<1024x512xi32>
      %jit3A_1433 = arith.constant 1.000000e+00 : f32
      %jit3A_1434 = arith.constant 0.000000e+00 : f32
      %broadcast_in_dim3A_1435 = vector.broadcast %jit3A_1433 : f32 to vector<1024x512xf32>
      %broadcast_in_dim3A_1436 = vector.broadcast %jit3A_1434 : f32 to vector<1024x512xf32>
      %select_n3A_1437 = arith.select %gt3A_1432, %broadcast_in_dim3A_1435, %broadcast_in_dim3A_1436 : vector<1024x512xi1>, vector<1024x512xf32>
      %reduce_sum3A_1438 = arith.constant dense<0.000000e+00> : vector<512xf32>
      %reduce_sum3A_1439 = vector.multi_reduction <add>, %select_n3A_1437, %reduce_sum3A_1438 [0] : vector<1024x512xf32> to vector<512xf32>
      %broadcast_in_dim3A_1440 = vector.shape_cast %reduce_sum3A_1439 : vector<512xf32> to vector<1x512xf32>
      %jit3A_1441 = arith.constant 0.000000e+00 : f32
      %broadcast_in_dim3A_1442 = vector.broadcast %jit3A_1441 : f32 to vector<1024x512xf32>
      %select_n3A_1443 = arith.select %gt3A_1432, %get3A_23, %broadcast_in_dim3A_1442 : vector<1024x512xi1>, vector<1024x512xf32>
      %reduce_sum3A_1444 = arith.constant dense<0.000000e+00> : vector<512xf32>
      %reduce_sum3A_1445 = vector.multi_reduction <add>, %select_n3A_1443, %reduce_sum3A_1444 [0] : vector<1024x512xf32> to vector<512xf32>
      %broadcast_in_dim3A_1446 = vector.shape_cast %reduce_sum3A_1445 : vector<512xf32> to vector<1x512xf32>
      %bitcast_convert_type3A_1447 = tpu.bitcast %or3A_1430 : vector<1x512xi32> -> vector<1x512xf32>
      %sub3A_1448 = arith.constant 1.030000e+02 : f32
      %sub3A_1449 = vector.broadcast %sub3A_1448 : f32 to vector<1x512xf32>
      %sub3A_1450 = arith.subf %sub3A_1449, %broadcast_in_dim3A_1440 : vector<1x512xf32>
      %mul3A = arith.mulf %sub3A_1450, %bitcast_convert_type3A_1447 : vector<1x512xf32>
      %add3A_1451 = arith.addf %broadcast_in_dim3A_1446, %mul3A : vector<1x512xf32>
      %sub3A_1452 = arith.subf %broadcast_in_dim3A, %add3A_1451 : vector<1x512xf32>
      %sub3A_1453 = arith.subf %sub3A_1452, %broadcast_in_dim3A_26 : vector<1x512xf32>
      %swap3A = arith.index_cast %arg0 : i32 to index
      %swap3A_1454 = arith.constant 0 : index
      %swap3A_1455 = arith.constant 0 : index
      %swap3A_1456 = vector.load %arg5[%swap3A, %swap3A_1454, %swap3A_1455] : memref<2x1x512xf32, #tpu.memory_space<vmem>>, vector<1x1x512xf32>
      %swap3A_1457 = vector.shape_cast %swap3A_1456 : vector<1x1x512xf32> to vector<1x512xf32>
      %swap3A_1458 = vector.shape_cast %sub3A_1453 : vector<1x512xf32> to vector<1x1x512xf32>
      tpu.vector_store %arg5[%swap3A, %swap3A_1454, %swap3A_1455], %swap3A_1458 {strides = array<i32>} : memref<2x1x512xf32, #tpu.memory_space<vmem>>, vector<1x1x512xf32>,
    } else {
    }
    %eq3A_12 = arith.constant 1 : i32
    %eq3A_13 = arith.cmpi eq, %arg0, %eq3A_12 : i32
    %eq3A_14 = arith.constant 1 : i32
    %eq3A_15 = arith.cmpi eq, %arg1, %eq3A_14 : i32
    %and3A_16 = arith.andi %eq3A_13, %eq3A_15 : i1
    %convert_element_type3A_17 = arith.extui %and3A_16 : i1 to i32
    %cond3A_18 = arith.constant 0 : i32
    %cond3A_19 = arith.cmpi ne, %convert_element_type3A_17, %cond3A_18 : i32
    scf.if %cond3A_19 {
      %get3A = arith.constant 0 : index
      %get3A_20 = arith.constant 0 : index
      %get3A_21 = arith.constant 0 : index
      %get3A_22 = vector.load %arg5[%get3A, %get3A_20, %get3A_21] : memref<2x1x512xf32, #tpu.memory_space<vmem>>, vector<2x1x512xf32>
      %reshape3A = vector.shape_cast %get3A_22 : vector<2x1x512xf32> to vector<2x512xf32>
      %iota3A = tpu.iota {dimensions = array<i32: 0>} : vector<2x512xi32>
      %mul3A = arith.constant 512 : i32
      %mul3A_23 = vector.broadcast %mul3A : i32 to vector<2x512xi32>
      %mul3A_24 = arith.muli %iota3A, %mul3A_23 : vector<2x512xi32>
      %iota3A_25 = tpu.iota {dimensions = array<i32: 1>} : vector<2x512xi32>
      %add3A = arith.addi %mul3A_24, %iota3A_25 : vector<2x512xi32>
      %iota3A_26 = tpu.iota {dimensions = array<i32: 1>} : vector<1x128xi32>
      %broadcast_in_dim3A = arith.constant 0 : i32
      %broadcast_in_dim3A_27 = vector.broadcast %broadcast_in_dim3A : i32 to vector<1x128xi32>
      %scan3A = arith.constant 0 : i32
      %scan3A_28 = arith.constant 8 : i32
      %scan3A_29 = arith.addi %scan3A, %scan3A_28 : i32
      %scan3A_30 = arith.constant 1 : i32
      %scan3A_31:2 = scf.for %scan3A_38 = %scan3A to %scan3A_29 step %scan3A_30 iter_args(%scan3A_39 = %reshape3A, %scan3A_40 = %broadcast_in_dim3A_27) -> (vector<2x512xf32>, vector<1x128xi32>)  : i32 {
        %reduce_min3A = vector.shape_cast %scan3A_39 : vector<2x512xf32> to vector<1x2x512xf32>
        %reduce_min3A_41 = arith.constant dense<0x7F800000> : vector<1xf32>
        %reduce_min3A_42 = vector.multi_reduction <minimumf>, %reduce_min3A, %reduce_min3A_41 [1, 2] : vector<1x2x512xf32> to vector<1xf32>
        %reduce_min3A_43 = vector.shape_cast %reduce_min3A_42 : vector<1xf32> to vector<1x1x1xf32>
        %reduce_min3A_44 = vector.extract %reduce_min3A_43[0, 0, 0] : f32 from vector<1x1x1xf32>
        %eq3A_45 = vector.broadcast %reduce_min3A_44 : f32 to vector<2x512xf32>
        %eq3A_46 = arith.cmpf oeq, %scan3A_39, %eq3A_45 : vector<2x512xf32>
        %jit3A = arith.constant 1073741824 : i32
        %broadcast_in_dim3A_47 = vector.broadcast %jit3A : i32 to vector<2x512xi32>
        %select_n3A = arith.select %eq3A_46, %add3A, %broadcast_in_dim3A_47 : vector<2x512xi1>, vector<2x512xi32>
        %reduce_min3A_48 = vector.shape_cast %select_n3A : vector<2x512xi32> to vector<1x2x512xi32>
        %reduce_min3A_49 = arith.constant dense<2147483647> : vector<1xi32>
        %reduce_min3A_50 = vector.multi_reduction <minsi>, %reduce_min3A_48, %reduce_min3A_49 [1, 2] : vector<1x2x512xi32> to vector<1xi32>
        %reduce_min3A_51 = vector.shape_cast %reduce_min3A_50 : vector<1xi32> to vector<1x1x1xi32>
        %reduce_min3A_52 = vector.extract %reduce_min3A_51[0, 0, 0] : i32 from vector<1x1x1xi32>
        %eq3A_53 = vector.broadcast %reduce_min3A_52 : i32 to vector<2x512xi32>
        %eq3A_54 = arith.cmpi eq, %add3A, %eq3A_53 : vector<2x512xi32>
        %eq3A_55 = vector.broadcast %scan3A_38 : i32 to vector<1x128xi32>
        %eq3A_56 = arith.cmpi eq, %iota3A_26, %eq3A_55 : vector<1x128xi32>
        %broadcast_in_dim3A_57 = vector.broadcast %reduce_min3A_52 : i32 to vector<1x128xi32>
        %select_n3A_58 = arith.select %eq3A_56, %broadcast_in_dim3A_57, %scan3A_40 : vector<1x128xi1>, vector<1x128xi32>
        %jit3A_59 = arith.constant 0x7F800000 : f32
        %broadcast_in_dim3A_60 = vector.broadcast %jit3A_59 : f32 to vector<2x512xf32>
        %select_n3A_61 = arith.select %eq3A_54, %broadcast_in_dim3A_60, %scan3A_39 : vector<2x512xi1>, vector<2x512xf32>
        scf.yield %select_n3A_61, %select_n3A_58 : vector<2x512xf32>, vector<1x128xi32>
      }
      %scan3A_32 = arith.constant 8 : i32
      %swap3A = arith.constant 0 : index
      %swap3A_33 = arith.constant 0 : index
      %swap3A_34 = arith.constant 0 : index
      %swap3A_35 = vector.load %arg3[%swap3A, %swap3A_33, %swap3A_34] : memref<1x1x128xi32, #tpu.memory_space<vmem>>, vector<1x1x128xi32>
      %swap3A_36 = vector.shape_cast %swap3A_35 : vector<1x1x128xi32> to vector<1x128xi32>
      %swap3A_37 = vector.shape_cast %scan3A_31#1 : vector<1x128xi32> to vector<1x1x128xi32>
      tpu.vector_store %arg3[%swap3A, %swap3A_33, %swap3A_34], %swap3A_37 {strides = array<i32>} : memref<1x1x128xi32, #tpu.memory_space<vmem>>, vector<1x1x128xi32>,
    } else {
    }
    return
  }
  func.func @transform_0(%arg0: i32, %arg1: i32) -> (i32, i32) {
    %c0_i32 = arith.constant 0 : i32
    %c0_i32_0 = arith.constant 0 : i32
    %c0_i32_1 = arith.constant 0 : i32
    return %c0_i32, %c0_i32_0 : i32, i32
  }
  func.func @transform_1(%arg0: i32, %arg1: i32) -> (i32, i32, i32) {
    %c0_i32 = arith.constant 0 : i32
    %c0_i32_0 = arith.constant 0 : i32
    %c0_i32_1 = arith.constant 0 : i32
    %c0_i32_2 = arith.constant 0 : i32
    return %c0_i32, %c0_i32_0, %c0_i32_1 : i32, i32, i32
  }
}

</mosaic_0001>

<sc_bundles>
// kernel: kernel.4.cloned.1.call-start
scs
__scs_entry_jumppad:
0x0: {  	(pc) =	sbr.rel $0x88, $3  }
0x1: {  	(tag) =	ssettag $0x0;
	lr =	simm.s32 $0x1  }
0x2: {  	[smem:$0x3FA0] =	sst lr;
	_ =	strace $0xD0000000  }
0x3: {  	_ = 	snop  }
0x4: {  	_ = 	snop  }
0x5: {  	_ = 	snop  }
0x6: {  	_ = 	snop  }
0x7: {  	_ = 	snop  }
__scs_overlays_trampoline_lowered:
0x8: {  	[smem:$0x3FAF] =	sst s0  }
0x9: {  	[smem:$0x3FB0] =	sst s1  }
0xa: {  	[smem:$0x3FB1] =	sst s2  }
0xb: {  	[smem:$0x3FB2] =	sst s3  }
0xc: {  	[smem:$0x3FB3] =	sst s4  }
0xd: {  	[smem:$0x3FB4] =	sst s5  }
0xe: {  	[smem:$0x3FB5] =	sst s6  }
0xf: {  	[smem:$0x3FB6] =	sst s7  }
0x10: {  	[smem:$0x3FB7] =	sst s8  }
0x11: {  	[smem:$0x3FB8] =	sst s9;
	s0 =	simm.s32 @!p0 $0x0  }
0x12: {  	s1 =	sld [smem:$0x3F9E];
	s0 =	simm.s32 @p0 $0x1  }
0x13: {  	[smem:$0x3FB9] =	sst s0;
	s0 =	simm.s32 @!p1 $0x0  }
0x14: {  	s2 =	sld [smem:$0x3F9D];
	s0 =	simm.s32 @p1 $0x1  }
0x15: {  	[smem:$0x3FBA] =	sst s0;
	s0 =	simm.s32 @!p2 $0x0  }
0x16: {  	s3 =	sld [smem:$0x3FDB];
	s0 =	simm.s32 @p2 $0x1  }
0x17: {  	s4 =	simm.s32 $0x1BF5;
	[smem:$0x3FBC] =	sst s0  }
0x18: {  	s0 =	sld [smem:$0x3F9F];
	_ =	swait.ge [sflag:s4], $0x0  }
0x19: {  	s7 =	sld [smem:$0x3FA0]  }
0x1a: {  	s8 =	sadd.s32 $0xFFFFE003, lr  }
0x1b: {  	s9 =	sadd.s32 $0xFFFFFEF7, lr;
	s5 =	simm.s32 $0xFFFFFFFF;
	p2 =	slt.u32 s8, $0xFFFFF086  }
0x1c: {  	p1 =	slt.u32 s9, $0xF7A;
	s5 =	simm.s32 @!p2 $0x0  }
0x1d: {  	s5 =	simm.s32 @p1 $0x1;
	p0 =	seq.s32 s7, s2  }
0x1e: {  	s7 =	smul.u32 @!p0 $0xF7A, s2;
	p2 =	seq.s32 @!p0 s5, $0x0  }
0x1f: {  	s9 =	smul.u32 $0xF7A, s1;
	s8 =	simm.s32 @!p0 $0x1BF5;
	p2 =	por !p2, p0  }
0x20: {  	[sflag:s8] =	ssyncset.s32 @!p0 $0xFFFFF086;
	s6 =	sadd.s32 @!p0 s3, s7;
	s7 =	simm.s32 @!p0 $0x108  }
0x21: {  	s3 =	sadd.s32 s3, s9;
	s6 =	sadd.s32 @!p0 $0x88, s6;
	s7 =	simm.s32 @p2 $0x1082  }
0x22: {  	[simem:s7], [sflag:s8] =	dma.local @!p0 [hbm:s6], $0xF7A  }
0x23: {  	s9 =	sor.u32 $0xD0000000, s2;
	s6 =	simm.s32 $0x108;
	_ =	swait.ge @!p0 [sflag:s8], $0x0  }
0x24: {  	s3 =	sadd.s32 $0x88, s3;
	s6 =	simm.s32 @!p1 $0x1082;
	[sflag:s4] =	ssyncset.s32 $0xFFFFF086  }
0x25: {  	[simem:s6], [sflag:s4] =	dma.local [hbm:s3], $0xF7A  }
0x26: {  	[smem:$0x3FA0] =	sst s1;
	(tag) =	ssettag s2;
	_ =	strace s9  }
0x27: {  	s1 =	sld [smem:$0x3FB0]  }
0x28: {  	s2 =	sld [smem:$0x3FB1]  }
0x29: {  	s4 =	sld [smem:$0x3FB3]  }
0x2a: {  	p0 =	seq.s32 s5, $0x0;
	s5 =	sld [smem:$0x3FB4]  }
0x2b: {  	s6 =	sld [smem:$0x3FB5]  }
0x2c: {  	s7 =	sld [smem:$0x3FB6]  }
0x2d: {  	s3 =	simm.s32 $0x108;
	s8 =	sld [smem:$0x3FB7]  }
0x2e: {  	s3 =	simm.s32 @!p0 $0x1082;
	s9 =	sld [smem:$0x3FB8]  }
0x2f: {  	lr =	sadd.s32 s0, s3;
	s0 =	sld [smem:$0x3FAF]  }
0x30: {  	s3 =	sld [smem:$0x3FB2]  }
0x31: {  	[smem:$0x3FBB] =	sst s10  }
0x32: {  	s10 =	sld [smem:$0x3FB9];
	_ =	sdelay $0x3  }
0x33: {  	p0 =	seq.s32 s10, $0x1;
	s10 =	sld [smem:$0x3FBB];
	_ =	sdelay $0x3  }
0x34: {  	[smem:$0x3FBB] =	sst s10  }
0x35: {  	s10 =	sld [smem:$0x3FBA];
	_ =	sdelay $0x3  }
0x36: {  	p1 =	seq.s32 s10, $0x1;
	s10 =	sld [smem:$0x3FBB];
	_ =	sdelay $0x3  }
0x37: {  	[smem:$0x3FBB] =	sst s10  }
0x38: {  	s10 =	sld [smem:$0x3FBC]  }
0x39: {  	_ = 	snop;
	(pc) =	sbr.ind lr, $3  }
0x3a: {  	_ = 	snop  }
0x3b: {  	_ = 	snop  }
0x3c: {  	p2 =	seq.s32 s10, $0x1;
	s10 =	sld [smem:$0x3FBB]  }
0x3d: {  	_ =	shalt  }
0x3e: {  	_ =	shalt  }
0x3f: {  	_ =	shalt  }
0x40: {  	_ =	shalt  }
0x41: {  	_ =	shalt  }
0x42: {  	_ =	shalt  }
0x43: {  	_ =	shalt  }
0x44: {  	_ =	shalt  }
0x45: {  	_ =	shalt  }
0x46: {  	_ =	shalt  }
0x47: {  	_ =	shalt  }
0x48: {  	_ =	shalt  }
0x49: {  	_ =	shalt  }
0x4a: {  	_ =	shalt  }
0x4b: {  	_ =	shalt  }
0x4c: {  	_ =	shalt  }
0x4d: {  	_ =	shalt  }
0x4e: {  	_ =	shalt  }
0x4f: {  	_ =	shalt  }
0x50: {  	_ =	shalt  }
0x51: {  	_ =	shalt  }
0x52: {  	_ =	shalt  }
0x53: {  	_ =	shalt  }
0x54: {  	_ =	shalt  }
0x55: {  	_ =	shalt  }
0x56: {  	_ =	shalt  }
0x57: {  	_ =	shalt  }
0x58: {  	_ =	shalt  }
0x59: {  	_ =	shalt  }
0x5a: {  	_ =	shalt  }
0x5b: {  	_ =	shalt  }
0x5c: {  	_ =	shalt  }
0x5d: {  	_ =	shalt  }
0x5e: {  	_ =	shalt  }
0x5f: {  	_ =	shalt  }
0x60: {  	_ =	shalt  }
0x61: {  	_ =	shalt  }
0x62: {  	_ =	shalt  }
0x63: {  	_ =	shalt  }
0x64: {  	_ =	shalt  }
0x65: {  	_ =	shalt  }
0x66: {  	_ =	shalt  }
0x67: {  	_ =	shalt  }
0x68: {  	_ =	shalt  }
0x69: {  	_ =	shalt  }
0x6a: {  	_ =	shalt  }
0x6b: {  	_ =	shalt  }
0x6c: {  	_ =	shalt  }
0x6d: {  	_ =	shalt  }
0x6e: {  	_ =	shalt  }
0x6f: {  	_ =	shalt  }
0x70: {  	_ =	shalt  }
0x71: {  	_ =	shalt  }
0x72: {  	_ =	shalt  }
0x73: {  	_ =	shalt  }
0x74: {  	_ =	shalt  }
0x75: {  	_ =	shalt  }
0x76: {  	_ =	shalt  }
0x77: {  	_ =	shalt  }
0x78: {  	_ =	shalt  }
0x79: {  	_ =	shalt  }
0x7a: {  	_ =	shalt  }
0x7b: {  	_ =	shalt  }
0x7c: {  	_ =	shalt  }
0x7d: {  	_ =	shalt  }
0x7e: {  	_ =	shalt  }
0x7f: {  	_ =	shalt  }
0x80: {  	_ =	shalt  }
0x81: {  	_ =	shalt  }
0x82: {  	_ =	shalt  }
0x83: {  	_ =	shalt  }
0x84: {  	_ =	shalt  }
0x85: {  	_ =	shalt  }
0x86: {  	_ =	shalt  }
0x87: {  	_ =	shalt  }
.Lfunc_end0:
.L_simem_size_0:
called_computation_lowered:
.L_overlay_start_0:
0x88: {  	s2 =	sld [smem:$0x3FD9]  }
0x89: {  	s3 =	sld [smem:$0x3FFE];
	_ =	sdelay $0x1  }
0x8a: {  	s1 =	srdreg.scid  }
0x8b: {  	s0 =	sand.u32 $0x1, s1  }
0x8c: {  	s17 =	sshll.u32 s0, $0xA;
	s2 =	sadd.s32 s3, s2  }
0x8d: {  	s2 =	sadd.s32 s2, s17  }
0x8e: {  	[smem:$0x3FC7] =	sst s2  }
0x8f: {  	_ = 	snop  }
0x90: {  	s2 =	sld [smem:$0x3FC9]  }
0x91: {  	s18 =	sld [smem:$0x3FD0];
	(tm) =	ssettm $0x1  }
0x92: {  	s4 =	sld [smem:$0x3FFB];
	_ =	sdelay $0x3  }
0x93: {  	_ =	strace s4  }
0x94: {  	s4 =	sld [smem:$0x3FFC];
	_ =	sdelay $0x3  }
0x95: {  	_ =	strace s4  }
0x96: {  	s4 =	sld [smem:$0x3FFD];
	_ =	sdelay $0x3  }
0x97: {  	_ =	strace s4  }
0x98: {  	_ =	strace $0x8FFFFFFF  }
0x99: {  	s19 =	sld [smem:$0x3FDB];
	_ =	sdelay $0x1  }
0x9a: {  	s5 =	simm.s32 $_scs_section_size  }
0x9b: {  	s6 =	simm.s32 $_size__tile_overlayer_lowered;
	s7 =	simm.s32 $_tile_overlayer_lowered  }
0x9c: {  	s22 =	simm.s32 $0x1BFF;
	s21 =	sshll.u32 s7, $0x1;
	s4 =	sadd.s32 s5, s19  }
0x9d: {  	s8 =	simm.s32 $0x0;
	s20 =	sshll.u32 s6, $0x1;
	s6 =	sadd.s32 s21, s4  }
0x9e: {  	[timem:s8], [sflag:s22] =	dma.local [hbm:s6], s20  }
0x9f: {  	_ =	swait.ge [sflag:s22], s20  }
0xa0: {  	s5 =	ssub.s32 $0x0, s20;
	[sflag:s22] =	ssyncset.done $0x0  }
0xa1: {  	[sflag:s22] =	ssyncadd.s32 s5;
	_ =	sdelay $0x1  }
0xa2: {  	s23 =	simm.s32 $0x1B8B  }
0xa3: {  	_ =	swait.ge [sflag:s23], $0x1  }
0xa4: {  	[sflag:s23] =	ssyncset.done $0x0  }
0xa5: {  	s25 =	simm.s32 $0x1B8E;
	s24 =	sld [smem:$0x3FFE];
	[sflag:s23] =	ssyncadd.s32 $0xFFFFFFFF  }
0xa6: {  	s26 =	simm.s32 $execute0_lowered;
	[smem:$0x3FD2] =	sst s25  }
0xa7: {  	s6 =	sshll.u32 s26, $0x1;
	_ =	strace $0x80000046;
	[dreg:$0x1] =	wrdreg $0xFFFFFFFF  }
0xa8: {  	s28 =	simm.s32 $_size_execute0_lowered;
	s4 =	sadd.s32 s4, s6;
	[dreg:$0x0] =	wrdreg $0x0  }
0xa9: {  	s6 =	sshll.u32 s28, $0x1;
	[dreg:$0x2] =	wrdreg s4  }
0xaa: {  	[dreg:$0x3] =	wrdreg s6  }
0xab: {  	[dreg:$0x4] =	wrdreg $0xC0  }
0xac: {  	_ =	task [dreg:s8], $0x5FFFF  }
0xad: {  	[dreg:$0x1] =	wrdreg $0xFFFFFFFF  }
0xae: {  	[dreg:$0x0] =	wrdreg $0x60  }
0xaf: {  	[dreg:$0x2] =	wrdreg s24  }
0xb0: {  	[dreg:$0x3] =	wrdreg s2  }
0xb1: {  	[dreg:$0x4] =	wrdreg s18  }
0xb2: {  	[dreg:$0x5] =	wrdreg $0x9  }
0xb3: {  	_ =	task.clear_ibuf [dreg:s8], $0x6FFFF;
	_ =	strace $0x90000046  }
0xb4: {  	s29 =	simm.s32 $0x9;
	_ =	strace $0x80000048  }
0xb5: {  	_ =	swait.ge [sflag:s29], $0x1  }
0xb6: {  	[sflag:s29] =	ssyncadd.s32 $0xFFFFFFFF  }
0xb7: {  	_ =	strace $0x90000048  }
0xb8: {  	_ =	sfence  }
0xb9: {  	s30 =	sld [smem:$0x0];
	_ =	sdelay $0x2  }
0xba: {  	s31 =	sshll.u32 s1, $0xD;
	s1 =	sshrl.u32 s1, $0x2  }
0xbb: {  	s3 =	sand.u32 $0x4000, s31;
	s1 =	sadd.s32 s1, s30  }
0xbc: {  	s0 =	sor.u32 s3, s0;
	s1 =	sshll.u32 s1, $0x11  }
0xbd: {  	s0 =	sor.u32 s1, s0  }
0xbe: {  	s0 =	sadd.s32 $0x8F2B, s0  }
0xbf: {  	[sflag:s0] =	ssyncadd.remote.s32 $0x1  }
0xc0: {  	_ =	sfence.sel $0xFFFF  }
0xc1: {  	[dreg:$0x0] =	wrdreg $0xFFFFFFFF;
	(pc) =	sbr.abs _section_cstart, $3  }
0xc2: {  	[dreg:$0x1] =	wrdreg $0xFFFFFFFF  }
0xc3: {  	_ =	task.clear_ibuf [dreg:s8], $0x2FFFF;
	_ =	strace $0x9FFFFFFF  }
0xc4: {  	(tm) =	ssettm $0x7FFFFFFF  }
0xc5: {  	_ =	shalt  }
tec
execute0_lowered:
.L_overlay_start_1:
0x0: {  	(tag) =	ssettag $0x1  }
0x1: {  	s1 =	srdreg.scid  }
0x2: {  	s3 =	stileid.u32;
	s1 =	sand.u32 $0x1, s1  }
0x3: {  	s3 =	sor.u32 s3, s1  }
0x4: {  	p0 =	sne.s32 s3, $0x0  }
.Ltmp0:
0x5: {  	_ = 	snop;
	(pc) =	sbr.rel @p0 .LBB2_5-.Ltmp0, $3  }
0x6: {  	_ =	sdelay $0x1  }
0x7: {  	s0 =	rddreg [dreg:$0x0]  }
0x8: {  	s2 =	rddreg [dreg:$0x1];
	_ =	strace $0x80000047  }
0x9: {  	s1 =	ssub.s32 $0x2, s1;
	s4 =	sadd.s32 $0x600, s0;
	s6 =	sadd.s32 $0x100, s2  }
0xa: {  	s7 =	sadd.s32 $0x200, s2;
	s8 =	sadd.s32 $0x300, s2;
	s9 =	sadd.s32 $0x400, s2  }
0xb: {  	s10 =	sadd.s32 $0x500, s2;
	s11 =	sadd.s32 $0x600, s2;
	s12 =	sadd.s32 $0x700, s2  }
0xc: {  	s13 =	sadd.s32 $0x800, s2;
	s14 =	sadd.s32 $0x900, s2;
	s15 =	sadd.s32 $0xA00, s2  }
0xd: {  	s16 =	sadd.s32 $0xB00, s2;
	s17 =	sadd.s32 $0xC00, s2;
	s18 =	sadd.s32 $0xD00, s2  }
0xe: {  	s19 =	sadd.s32 $0xE00, s2;
	s20 =	sadd.s32 $0xF00, s2;
	s21 =	simm.s32 $0x0  }
0xf: {  	s22 =	simm.s32 $0x2;
	v0 =	vlaneseq.u32;
	s25 =	simm.s32 $0x6880;
	s26 =	simm.s32 $0x7080  }
0x10: {  	s28 =	simm.s32 $0x7880;
	s29 =	simm.s32 $0x1;
	s3 =	sshrl.u32 s1, $0x1;
	v1 =	vshrl.u32 v0, $0x3  }
0x11: {  	vm0 =	vmmov $0xffff;
	s30 =	simm.s32 $0x8080;
	s31 =	simm.s32 $0x0;
	v0 =	vand.u32 $0x7, v0;
	s5 =	ssub.s32 s1, s3;
	v1 =	vmul.u32 $0x8, v1  }
.LBB2_2:
0x12: {  	[tilespmem:s21], [sflag:$0x2] =	stream.linear.gather [hbm4b:s4+s21], $0x80, $0x38;
	[tilespmem:$0x9080] =	vst v63  }
0x13: {  	_ =	swait.ge [sflag:s22], $0x80  }
0x14: {  	[sflag:s22] =	ssyncset.done $0x0  }
0x15: {  	[sflag:s22] =	ssyncadd.s32 $0xFFFFFF80  }
0x16: {  	v2 =	vld.msk [tilespmem:$0x0], $0xff;
	_ =	sdelay $0x4  }
0x17: {  	v3 =	vshll.u32 v2, $0x5  }
0x18: {  	v2 =	vand.u32 $0x7, v2;
	v3 =	vand.u32 $0xFFFFFF00, v3  }
0x19: {  	v2 =	vor.u32 v2, v3  }
0x1a: {  	v2 =	vperm.xlane v2, v0;
	_ =	sdelay $0x1  }
0x1b: {  	v2 =	vadd.s32 v1, v2;
	_ =	sdelay $0x3  }
0x1c: {  	s0 =	simm.s32 $0x80  }
0x1d: {  	[tilespmem:s0], [sflag:$0x1] =	stream.indirect_vreg.gather [hbm4b:s2+s21], $0x80, v2, vm0, $0xb8;
	[tilespmem:$0x9080] =	vst v63  }
0x1e: {  	s23 =	simm.s32 $0x880  }
0x1f: {  	[tilespmem:s23], [sflag:$0x1] =	stream.indirect_vreg.gather [hbm4b:s6+s21], $0x80, v2, vm0, $0xb8;
	[tilespmem:$0x9080] =	vst v63  }
0x20: {  	s24 =	simm.s32 $0x1080  }
0x21: {  	[tilespmem:s24], [sflag:$0x1] =	stream.indirect_vreg.gather [hbm4b:s7+s21], $0x80, v2, vm0, $0xb8;
	[tilespmem:$0x9080] =	vst v63  }
0x22: {  	s1 =	simm.s32 $0x1880  }
0x23: {  	[tilespmem:s1], [sflag:$0x1] =	stream.indirect_vreg.gather [hbm4b:s8+s21], $0x80, v2, vm0, $0xb8;
	[tilespmem:$0x9080] =	vst v63  }
0x24: {  	s3 =	simm.s32 $0x2080  }
0x25: {  	[tilespmem:s3], [sflag:$0x1] =	stream.indirect_vreg.gather [hbm4b:s9+s21], $0x80, v2, vm0, $0xb8;
	[tilespmem:$0x9080] =	vst v63  }
0x26: {  	s23 =	simm.s32 $0x2880  }
0x27: {  	[tilespmem:s23], [sflag:$0x1] =	stream.indirect_vreg.gather [hbm4b:s10+s21], $0x80, v2, vm0, $0xb8;
	[tilespmem:$0x9080] =	vst v63  }
0x28: {  	s24 =	simm.s32 $0x3080  }
0x29: {  	[tilespmem:s24], [sflag:$0x1] =	stream.indirect_vreg.gather [hbm4b:s11+s21], $0x80, v2, vm0, $0xb8;
	[tilespmem:$0x9080] =	vst v63  }
0x2a: {  	s1 =	simm.s32 $0x3880  }
0x2b: {  	[tilespmem:s1], [sflag:$0x1] =	stream.indirect_vreg.gather [hbm4b:s12+s21], $0x80, v2, vm0, $0xb8;
	[tilespmem:$0x9080] =	vst v63  }
0x2c: {  	s3 =	simm.s32 $0x4080  }
0x2d: {  	[tilespmem:s3], [sflag:$0x1] =	stream.indirect_vreg.gather [hbm4b:s13+s21], $0x80, v2, vm0, $0xb8;
	[tilespmem:$0x9080] =	vst v63  }
0x2e: {  	s23 =	simm.s32 $0x4880  }
0x2f: {  	[tilespmem:s23], [sflag:$0x1] =	stream.indirect_vreg.gather [hbm4b:s14+s21], $0x80, v2, vm0, $0xb8;
	[tilespmem:$0x9080] =	vst v63  }
0x30: {  	s24 =	simm.s32 $0x5080  }
0x31: {  	[tilespmem:s24], [sflag:$0x1] =	stream.indirect_vreg.gather [hbm4b:s15+s21], $0x80, v2, vm0, $0xb8;
	[tilespmem:$0x9080] =	vst v63  }
0x32: {  	s1 =	simm.s32 $0x5880  }
0x33: {  	[tilespmem:s1], [sflag:$0x1] =	stream.indirect_vreg.gather [hbm4b:s16+s21], $0x80, v2, vm0, $0xb8;
	[tilespmem:$0x9080] =	vst v63  }
0x34: {  	s3 =	simm.s32 $0x6080  }
0x35: {  	[tilespmem:s3], [sflag:$0x1] =	stream.indirect_vreg.gather [hbm4b:s17+s21], $0x80, v2, vm0, $0xb8;
	[tilespmem:$0x9080] =	vst v63  }
0x36: {  	_ = 	snop  }
0x37: {  	[tilespmem:s25], [sflag:$0x1] =	stream.indirect_vreg.gather [hbm4b:s18+s21], $0x80, v2, vm0, $0xb8;
	[tilespmem:$0x9080] =	vst v63  }
0x38: {  	_ = 	snop  }
0x39: {  	[tilespmem:s26], [sflag:$0x1] =	stream.indirect_vreg.gather [hbm4b:s19+s21], $0x80, v2, vm0, $0xb8;
	[tilespmem:$0x9080] =	vst v63  }
0x3a: {  	_ = 	snop  }
0x3b: {  	[tilespmem:s28], [sflag:$0x1] =	stream.indirect_vreg.gather [hbm4b:s20+s21], $0x80, v2, vm0, $0xb8;
	[tilespmem:$0x9080] =	vst v63  }
0x3c: {  	_ =	swait.ge [sflag:s29], $0x8000  }
0x3d: {  	s23 =	sand.u32 $0x70, s21;
	s1 =	sand.u32 $0x7C00, s21;
	[sflag:s29] =	ssyncset.done $0x0  }
0x3e: {  	s0 =	sor.u32 s23, s1;
	[sflag:s29] =	ssyncadd.s32 $0xFFFF8000  }
0x3f: {  	v2 =	vld [tilespmem:s0+$0x80];
	_ =	sdelay $0x1  }
0x40: {  	v3 =	vld [tilespmem:s0+$0x100];
	_ =	sdelay $0x1  }
0x41: {  	v4 =	vld [tilespmem:s0+$0x180]  }
0x42: {  	v2 =	vadd.f32 $0.0e+00, v2  }
0x43: {  	v5 =	vld [tilespmem:s0+$0x200]  }
0x44: {  	v2 =	vadd.f32 v3, v2  }
0x45: {  	v3 =	vld [tilespmem:s0+$0x280]  }
0x46: {  	v2 =	vadd.f32 v4, v2  }
0x47: {  	v62 =	vld [tilespmem:s0+$0x300]  }
0x48: {  	v2 =	vadd.f32 v5, v2  }
0x49: {  	v63 =	vld [tilespmem:s0+$0x380]  }
0x4a: {  	v2 =	vadd.f32 v3, v2  }
0x4b: {  	v3 =	vld [tilespmem:s0+$0x400]  }
0x4c: {  	v2 =	vadd.f32 v62, v2;
	_ =	sdelay $0x1  }
0x4d: {  	v2 =	vadd.f32 v63, v2;
	_ =	sdelay $0x1  }
0x4e: {  	v2 =	vadd.f32 v3, v2  }
0x4f: {  	s24 =	simm.s32 $0x10  }
0x50: {  	s23 =	sand.u32 $0x70, s24;
	s0 =	simm.s32 $0x80;
	v2 =	vmul.f32 $1.250000000e-01, v2  }
0x51: {  	s1 =	simm.s32 $0x8080;
	s3 =	simm.s32 $0x20;
	s24 =	sand.u32 $0x7C00, s0  }
.LBB2_3:
0x52: {  	p0 =	sne.s32 s3, $0xFF0;
	s23 =	sor.u32 s23, s24;
	[tilespmem:s1+$0x0] =	vst v2  }
0x53: {  	v2 =	vld [tilespmem:s23+$0x80];
	_ =	sdelay $0x1  }
0x54: {  	v3 =	vld [tilespmem:s23+$0x100];
	_ =	sdelay $0x1  }
0x55: {  	v4 =	vld [tilespmem:s23+$0x180]  }
0x56: {  	v2 =	vadd.f32 $0.0e+00, v2  }
0x57: {  	v5 =	vld [tilespmem:s23+$0x200]  }
0x58: {  	v2 =	vadd.f32 v3, v2  }
0x59: {  	v3 =	vld [tilespmem:s23+$0x280]  }
0x5a: {  	v2 =	vadd.f32 v4, v2  }
0x5b: {  	v4 =	vld [tilespmem:s23+$0x300]  }
0x5c: {  	v2 =	vadd.f32 v5, v2  }
0x5d: {  	v5 =	vld [tilespmem:s23+$0x380]  }
0x5e: {  	v2 =	vadd.f32 v3, v2  }
0x5f: {  	v3 =	vld [tilespmem:s23+$0x400]  }
0x60: {  	v2 =	vadd.f32 v4, v2;
	_ =	sdelay $0x1  }
0x61: {  	v2 =	vadd.f32 v5, v2  }
.Ltmp1:
0x62: {  	(pc) =	sbr.rel @p0 .LBB2_3-.Ltmp1, $3  }
0x63: {  	v2 =	vadd.f32 v3, v2;
	_ =	sdelay $0x1  }
0x64: {  	s0 =	sadd.s32 $0x80, s0;
	s1 =	sadd.s32 $0x10, s1;
	v2 =	vmul.f32 $1.250000000e-01, v2  }
0x65: {  	s24 =	sand.u32 $0x7C00, s0;
	s23 =	sand.u32 $0x70, s3;
	s3 =	sadd.s32 $0x10, s3  }
0x66: {  	s0 =	sor.u32 s23, s24;
	[tilespmem:s1+$0x0] =	vst v2  }
0x67: {  	v2 =	vld [tilespmem:s0+$0x80];
	_ =	sdelay $0x1  }
0x68: {  	v3 =	vld [tilespmem:s0+$0x100];
	_ =	sdelay $0x1  }
0x69: {  	v4 =	vld [tilespmem:s0+$0x180]  }
0x6a: {  	v2 =	vadd.f32 $0.0e+00, v2  }
0x6b: {  	v5 =	vld [tilespmem:s0+$0x200]  }
0x6c: {  	v2 =	vadd.f32 v3, v2  }
0x6d: {  	v3 =	vld [tilespmem:s0+$0x280]  }
0x6e: {  	v2 =	vadd.f32 v4, v2  }
0x6f: {  	v62 =	vld [tilespmem:s0+$0x300]  }
0x70: {  	v2 =	vadd.f32 v5, v2  }
0x71: {  	v63 =	vld [tilespmem:s0+$0x380]  }
0x72: {  	v2 =	vadd.f32 v3, v2  }
0x73: {  	v3 =	vld [tilespmem:s0+$0x400]  }
0x74: {  	v2 =	vadd.f32 v62, v2;
	_ =	sdelay $0x1  }
0x75: {  	v2 =	vadd.f32 v63, v2;
	_ =	sdelay $0x1  }
0x76: {  	v2 =	vadd.f32 v3, v2;
	_ =	sdelay $0x1  }
0x77: {  	s31 =	sadd.s32 $0x1, s31;
	v2 =	vmul.f32 $1.250000000e-01, v2  }
0x78: {  	s23 =	sadd.s32 $0x10, s1;
	p0 =	sne.s32 s31, s5  }
.Ltmp2:
0x79: {  	s24 =	rddreg [dreg:$0x2];
	[tilespmem:s23+$0x0] =	vst v2;
	(pc) =	sbr.rel @p0 .LBB2_2-.Ltmp2, $4  }
0x7a: {  	[hbm4b:s24+s21] =	stream.linear.scatter [tilespmem:s30], [sflag:$0x2], $0x1000, $0x38;
	[tilespmem:$0x9080] =	vst v63  }
0x7b: {  	_ =	swait.ge [sflag:s22], $0x1000  }
0x7c: {  	[sflag:s22] =	ssyncset.done $0x0  }
0x7d: {  	[sflag:s22] =	ssyncadd.s32 $0xFFFFF000  }
.LBB2_5:
0x7e: {  	_ =	sfence.sel $0x180000  }
0x7f: {  	[bflag:$0x0] =	sbarrier.arrive $0xFFFF  }
0x80: {  	_ =	strace $0x90000047  }
0x81: {  	s0 =	stileid.u32;
	[bflag:$0x2] =	sbarrier.arrive $0xFFFF  }
0x82: {  	p0 =	sne.s32 s0, $0x0;
	s0 =	rddreg [dreg:$0x3]  }
0x83: {  	s0 =	sadd.s32 @!p0 $0x100000, s0  }
0x84: {  	[sflag:s0] =	ssyncadd.tile.s32 @!p0 $0x1;
	_ =	shalt  }
.Lfunc_end2:
_tile_overlayer_lowered:
.L_overlay_start_2:
0x85: {  	(tag) =	ssettag $0x2  }
0x86: {  	s0 =	rddreg [dreg:$0x0];
	s2 =	stileid.u32  }
0x87: {  	s1 =	rddreg [dreg:$0x1];
	p0 =	sne.s32 s2, $0x0  }
0x88: {  	s3 =	rddreg [dreg:$0x2];
	[bflag:$0x3] =	sbarrier.arrive $0xFFFF;
	s2 =	simm.s32 @!p0 $0x1C02  }
0x89: {  	[timem:s3], [sflag:s2] =	dma.local @!p0 [hbm:s0], s1  }
0x8a: {  	s0 =	simm.s32 @!p0 $0x2  }
0x8b: {  	_ =	swait.ge @!p0 [sflag:s0], s1  }
0x8c: {  	s1 =	ssub.s32 @!p0 $0x0, s1;
	[sflag:s0] =	ssyncset.done @!p0 $0x0  }
0x8d: {  	[sflag:s0] =	ssyncadd.s32 @!p0 s1  }
0x8e: {  	[bflag:$0x3] =	sbarrier.arrive $0xFFFF  }
0x8f: {  	_ =	shalt  }

</sc_bundles>
